<compile_context>
chip_gen: v7x
topology: tpu7x:2x2x1
jax: 0.10.2.dev20260603
libtpu: 0.0.44.dev20260713+nightly
codegen_flags: <defaults>
</compile_context>

<pallas_src>
import functools

import jax
import jax.numpy as jnp
from jax import lax
from jax.experimental import pallas as pl
from jax.experimental.pallas import tpu as pltpu
from jax.experimental.pallas import tpu_sc as plsc

_N = 10000
_E = 160000
_D = 256
_H = 128
_C = 2

_NP = 10240
_NC, _NS = 2, 16
_NW = _NC * _NS
_EP = 163840
_EPW = _EP // _NW
_CH = 128
_NCHUNK = _EPW // _CH
_RPS = _NP // _NS

_mesh = plsc.VectorSubcoreMesh(core_axis_name="c", subcore_axis_name="s")


def _deg_body(col2_hbm, val_hbm, zero_hbm, out_hbm, colbuf, valbuf, degacc, dsem):
    c = lax.axis_index("c")
    s = lax.axis_index("s")
    wid = c * _NS + s
    pltpu.sync_copy(zero_hbm, degacc.at[pl.ds(s * _RPS, _RPS)])
    pltpu.sync_copy(val_hbm, valbuf)
    pltpu.sync_copy(col2_hbm.at[pl.ds(wid * _NCHUNK, _NCHUNK)], colbuf)
    plsc.subcore_barrier()

    def _fire(j, carry):
        pltpu.async_copy(valbuf, degacc.at[colbuf.at[j]], dsem, add=True)
        return carry

    lax.fori_loop(0, _NCHUNK, _fire, 0)

    def _drain(j, carry):
        pltpu.make_async_copy(valbuf, degacc.at[colbuf.at[j]], dsem).wait()
        return carry

    lax.fori_loop(0, _NCHUNK, _drain, 0)
    plsc.subcore_barrier()
    pltpu.sync_copy(degacc.at[pl.ds(s * _RPS, _RPS)],
                    out_hbm.at[c, pl.ds(s * _RPS, _RPS)])


_deg_call = functools.partial(
    pl.kernel,
    out_type=jax.ShapeDtypeStruct((_NC, _NP, _H), jnp.float32),
    mesh=_mesh,
    scratch_types=[
        pltpu.VMEM((_NCHUNK, _CH), jnp.int32),
        pltpu.VMEM((_CH, _H), jnp.float32),
        pltpu.VMEM_SHARED((_NP, _H), jnp.float32),
        pltpu.SemaphoreType.DMA,
    ],
)(_deg_body)


def _scat_body(hp_hbm, row2_hbm, col2_hbm, zero_hbm, out_hbm,
               rowbuf, colbuf, gbuf, accum, sem, sem2, sem3, sem4):
    c = lax.axis_index("c")
    s = lax.axis_index("s")
    wid = c * _NS + s
    pltpu.sync_copy(zero_hbm, accum.at[pl.ds(s * _RPS, _RPS)])
    pltpu.sync_copy(row2_hbm.at[pl.ds(wid * _NCHUNK, _NCHUNK)], rowbuf)
    pltpu.sync_copy(col2_hbm.at[pl.ds(wid * _NCHUNK, _NCHUNK)], colbuf)
    plsc.subcore_barrier()

    def _chunk(j, carry):
        sems = (sem, sem2, sem3, sem4)
        hs = [pltpu.async_copy(hp_hbm.at[rowbuf.at[j, pl.ds(q * 32, 32)]],
                               gbuf.at[pl.ds(q * 32, 32)], sems[q])
              for q in range(4)]
        for hq in hs:
            hq.wait()
        pltpu.sync_copy(gbuf, accum.at[colbuf.at[j]], add=True)
        return carry

    lax.fori_loop(0, _NCHUNK, _chunk, 0)
    plsc.subcore_barrier()
    pltpu.sync_copy(accum.at[pl.ds(s * _RPS, _RPS)],
                    out_hbm.at[c, pl.ds(s * _RPS, _RPS)])


_scat_call = functools.partial(
    pl.kernel,
    out_type=jax.ShapeDtypeStruct((_NC, _NP, _H), jnp.float32),
    mesh=_mesh,
    scratch_types=[
        pltpu.VMEM((_NCHUNK, _CH), jnp.int32),
        pltpu.VMEM((_NCHUNK, _CH), jnp.int32),
        pltpu.VMEM((_CH, _H), jnp.float32),
        pltpu.VMEM_SHARED((_NP, _H), jnp.float32),
        pltpu.SemaphoreType.DMA,
        pltpu.SemaphoreType.DMA,
        pltpu.SemaphoreType.DMA,
        pltpu.SemaphoreType.DMA,
    ],
)(_scat_body)


def _mm_body(x_ref, w1_ref, h_ref):
    h_ref[...] = jnp.dot(x_ref[...], w1_ref[...],
                         preferred_element_type=jnp.float32)


_BM = 256


def _mm_call(x_p, W1):
    grid = (_NP // _BM,)
    return pl.pallas_call(
        _mm_body,
        grid=grid,
        in_specs=[
            pl.BlockSpec((_BM, _D), lambda i: (i, 0)),
            pl.BlockSpec((_D, _H), lambda i: (0, 0)),
        ],
        out_specs=pl.BlockSpec((_BM, _H), lambda i: (i, 0)),
        out_shape=jax.ShapeDtypeStruct((_NP, _H), jnp.float32),
    )(x_p, W1)


def _deg_from_partials(degp_blk):
    d = degp_blk[0] + degp_blk[1]
    return jnp.sum(d, axis=1, keepdims=True) + 1.0


def _scale_body(h_ref, degp_ref, hp_ref):
    dis = jax.lax.rsqrt(_deg_from_partials(degp_ref[...]))
    hp_ref[...] = h_ref[...] * dis


def _scale_call(h, degp):
    grid = (_NP // _BM,)
    return pl.pallas_call(
        _scale_body,
        grid=grid,
        in_specs=[
            pl.BlockSpec((_BM, _H), lambda i: (i, 0)),
            pl.BlockSpec((_NC, _BM, _H), lambda i: (0, i, 0)),
        ],
        out_specs=pl.BlockSpec((_BM, _H), lambda i: (i, 0)),
        out_shape=jax.ShapeDtypeStruct((_NP, _H), jnp.float32),
    )(h, degp)


def _tail_body(p_ref, hp_ref, degp_ref, b1_ref, w2_ref, b2_ref, out_ref):
    dis = jax.lax.rsqrt(_deg_from_partials(degp_ref[...]))
    sums = p_ref[0] + p_ref[1] + hp_ref[...]
    pre = sums * dis + b1_ref[...]
    act = jnp.maximum(pre, 0.0)
    out_ref[...] = jnp.dot(act, w2_ref[...],
                           preferred_element_type=jnp.float32) + b2_ref[...]


def _tail_call(partials, hp, degp, b1r, W2p, b2p):
    grid = (_NP // _BM,)
    return pl.pallas_call(
        _tail_body,
        grid=grid,
        in_specs=[
            pl.BlockSpec((_NC, _BM, _H), lambda i: (0, i, 0)),
            pl.BlockSpec((_BM, _H), lambda i: (i, 0)),
            pl.BlockSpec((_NC, _BM, _H), lambda i: (0, i, 0)),
            pl.BlockSpec((1, _H), lambda i: (0, 0)),
            pl.BlockSpec((_H, 8), lambda i: (0, 0)),
            pl.BlockSpec((1, 8), lambda i: (0, 0)),
        ],
        out_specs=pl.BlockSpec((_BM, 8), lambda i: (i, 0)),
        out_shape=jax.ShapeDtypeStruct((_NP, 8), jnp.float32),
    )(partials, hp, degp, b1r, W2p, b2p)


def kernel(x, edge_index, W1, b1, W2, b2):
    row = edge_index[0]
    col = edge_index[1]
    pad = _EP - _E
    rowp = jnp.concatenate([row, jnp.zeros((pad,), jnp.int32)])
    colp = jnp.concatenate([col, jnp.full((pad,), _N, jnp.int32)])
    row2 = rowp.reshape(_EP // _CH, _CH)
    col2 = colp.reshape(_EP // _CH, _CH)
    x_p = jnp.concatenate([x, jnp.zeros((_NP - _N, _D), jnp.float32)])
    zero_blk = jnp.zeros((_RPS, _H), jnp.float32)
    val128 = jnp.full((_CH, _H), 1.0 / _H, jnp.float32)
    b1r = b1.reshape(1, _H)
    W2p = jnp.pad(W2, ((0, 0), (0, 8 - _C)))
    b2p = jnp.pad(b2, (0, 8 - _C)).reshape(1, 8)

    degp = _deg_call(col2, val128, zero_blk)
    h = _mm_call(x_p, W1)
    hp = _scale_call(h, degp)
    partials = _scat_call(hp, row2, col2, zero_blk)
    out = _tail_call(partials, hp, degp, b1r, W2p, b2p)
    return out[:_N, :_C]

# --- scband reference (transcript-rebuilt; emitter-appended) ---
"""Pipeline reference for scband-gcn-10625749090523 (READ-ONLY COPY).

The authoritative reference and input builder live on the scoring server;
editing this copy changes nothing except your own understanding.
"""

import jax, jax.numpy as jnp
import numpy as np

N = 10000
E = 160000
D = 256
H = 128
C = 2


def gcn_conv(x, edge_index, W1, b1):
    # Faithful PyG GCNConv: add self-loops, symmetric normalization, lin -> propagate(sum) -> bias
    n = x.shape[0]
    self_loops = jnp.arange(n, dtype=edge_index.dtype)
    row = jnp.concatenate([edge_index[0], self_loops])  # source nodes
    col = jnp.concatenate([edge_index[1], self_loops])  # destination nodes
    # edge weights = 1
    ew = jnp.ones(row.shape[0], dtype=x.dtype)
    deg = jax.ops.segment_sum(ew, col, num_segments=n)
    deg_inv_sqrt = jnp.where(deg > 0, jax.lax.rsqrt(jnp.where(deg > 0, deg, 1.0)), 0.0)
    norm = deg_inv_sqrt[row] * ew * deg_inv_sqrt[col]
    # linear transform first (PyG applies self.lin before propagate)
    h = x @ W1
    msgs = h[row] * norm[:, None]
    out = jax.ops.segment_sum(msgs, col, num_segments=n)
    return out + b1


def setup_inputs(seed: int = 0) -> dict:
    key = jax.random.key(seed)
    k1, k2, k3, k4, k5, k6 = jax.random.split(key, 6)
    x = jax.random.normal(k1, (N, D), dtype=jnp.float32)
    edge_index = jax.random.randint(k2, (2, E), 0, N, dtype=jnp.int32)
    W1 = jax.random.normal(k3, (D, H), dtype=jnp.float32) * (1.0 / np.sqrt(D))
    b1 = jnp.zeros((H,), dtype=jnp.float32)
    W2 = jax.random.normal(k4, (H, C), dtype=jnp.float32) * (1.0 / np.sqrt(H))
    b2 = jnp.zeros((C,), dtype=jnp.float32)
    return {"x": x, "edge_index": edge_index, "W1": W1, "b1": b1, "W2": W2, "b2": b2}


def reference(x, edge_index, W1, b1, W2, b2):
    h = gcn_conv(x, edge_index, W1, b1)
    h = jax.nn.relu(h)
    # dropout is identity in eval mode
    out = h @ W2 + b2
    return out

if __name__ == "__main__":
    import jax
    _d = setup_inputs()
    print(jax.jit(kernel)(*tuple(_d.values())))

</pallas_src>

<mosaic_0001>
#map = affine_map<(d0, d1) -> (0, 0)>
#map1 = affine_map<(d0, d1) -> (0, 0, 0)>
module attributes {stable_mosaic.version = 14 : i64} {
  func.func @_deg_body(%arg0: i32, %arg1: i32, %arg2: memref<1280x128xi32, #tpu.memory_space<hbm>>, %arg3: memref<128x128xf32, #tpu.memory_space<hbm>>, %arg4: memref<640x128xf32, #tpu.memory_space<hbm>>, %arg5: memref<2x10240x128xf32, #tpu.memory_space<hbm>>, %arg6: memref<40x128xi32, #tpu.memory_space<vmem>>, %arg7: memref<128x128xf32, #tpu.memory_space<vmem>>, %arg8: memref<10240x128xf32, #tpu.memory_space<vmem_shared>>, %arg9: memref<!tpu.dma_semaphore, #tpu.memory_space<semaphore_mem>>) attributes {dimension_semantics = [#tpu.dimension_semantics<core_parallel>, #tpu.dimension_semantics<subcore_parallel>], iteration_bounds = array<i64: 2, 16>, scalar_prefetch = 0 : i64, scratch_operands = 4 : i64, tpu.core_type = #tpu.core_type<sc_vector_subcore>, window_params = [{transform_indices = #map}, {transform_indices = #map}, {transform_indices = #map}, {transform_indices = #map1}]} {
    %mul3A = arith.constant 16 : i32
    %mul3A_0 = arith.muli %arg0, %mul3A : i32
    %add3A = arith.addi %mul3A_0, %arg1 : i32
    %mul3A_1 = arith.constant 640 : i32
    %mul3A_2 = arith.muli %arg1, %mul3A_1 : i32
    "tpu.region"() ({
      %run_scoped3A = tpu.sem_alloc : memref<!tpu.dma_semaphore, #tpu.memory_space<semaphore_mem>>
      %dma_start3A = arith.constant 0 : i32
      %dma_start3A_21 = tpu.memref_slice %arg8[%mul3A_2, %dma_start3A] : memref<10240x128xf32, #tpu.memory_space<vmem_shared>> -> memref<640x128xf32, #tpu.memory_space<vmem_shared>>
      tpu.enqueue_dma source(%arg4 : memref<640x128xf32, #tpu.memory_space<hbm>>) target(%dma_start3A_21 : memref<640x128xf32, #tpu.memory_space<vmem_shared>>) target_semaphore(%run_scoped3A : memref<!tpu.dma_semaphore, #tpu.memory_space<semaphore_mem>>)
      %dma_wait3A = arith.constant 0 : i32
      %dma_wait3A_22 = tpu.memref_slice %arg8[%mul3A_2, %dma_wait3A] : memref<10240x128xf32, #tpu.memory_space<vmem_shared>> -> memref<640x128xf32, #tpu.memory_space<vmem_shared>>
      tpu.wait_dma2 semaphore(%run_scoped3A : memref<!tpu.dma_semaphore, #tpu.memory_space<semaphore_mem>>) src(%arg4 : memref<640x128xf32, #tpu.memory_space<hbm>>) dst(%dma_wait3A_22 : memref<640x128xf32, #tpu.memory_space<vmem_shared>>)
      tpu.yield
    }) : () -> ()
    "tpu.region"() ({
      %run_scoped3A = tpu.sem_alloc : memref<!tpu.dma_semaphore, #tpu.memory_space<semaphore_mem>>
      tpu.enqueue_dma source(%arg3 : memref<128x128xf32, #tpu.memory_space<hbm>>) target(%arg7 : memref<128x128xf32, #tpu.memory_space<vmem>>) target_semaphore(%run_scoped3A : memref<!tpu.dma_semaphore, #tpu.memory_space<semaphore_mem>>)
      tpu.wait_dma2 semaphore(%run_scoped3A : memref<!tpu.dma_semaphore, #tpu.memory_space<semaphore_mem>>) src(%arg3 : memref<128x128xf32, #tpu.memory_space<hbm>>) dst(%arg7 : memref<128x128xf32, #tpu.memory_space<vmem>>)
      tpu.yield
    }) : () -> ()
    %mul3A_3 = arith.constant 40 : i32
    %mul3A_4 = arith.muli %add3A, %mul3A_3 : i32
    "tpu.region"() ({
      %run_scoped3A = tpu.sem_alloc : memref<!tpu.dma_semaphore, #tpu.memory_space<semaphore_mem>>
      %dma_start3A = arith.constant 0 : i32
      %dma_start3A_21 = tpu.memref_slice %arg2[%mul3A_4, %dma_start3A] : memref<1280x128xi32, #tpu.memory_space<hbm>> -> memref<40x128xi32, #tpu.memory_space<hbm>>
      %dma_start3A_22 = arith.constant 0 : i32
      %dma_start3A_23 = tpu.memref_slice %arg2[%mul3A_4, %dma_start3A_22] : memref<1280x128xi32, #tpu.memory_space<hbm>> -> memref<40x128xi32, #tpu.memory_space<hbm>>
      tpu.enqueue_dma source(%dma_start3A_23 : memref<40x128xi32, #tpu.memory_space<hbm>>) target(%arg6 : memref<40x128xi32, #tpu.memory_space<vmem>>) target_semaphore(%run_scoped3A : memref<!tpu.dma_semaphore, #tpu.memory_space<semaphore_mem>>)
      %dma_wait3A = arith.constant 0 : i32
      %dma_wait3A_24 = tpu.memref_slice %arg2[%mul3A_4, %dma_wait3A] : memref<1280x128xi32, #tpu.memory_space<hbm>> -> memref<40x128xi32, #tpu.memory_space<hbm>>
      %dma_wait3A_25 = arith.constant 0 : i32
      %dma_wait3A_26 = tpu.memref_slice %arg2[%mul3A_4, %dma_wait3A_25] : memref<1280x128xi32, #tpu.memory_space<hbm>> -> memref<40x128xi32, #tpu.memory_space<hbm>>
      tpu.wait_dma2 semaphore(%run_scoped3A : memref<!tpu.dma_semaphore, #tpu.memory_space<semaphore_mem>>) src(%dma_wait3A_26 : memref<40x128xi32, #tpu.memory_space<hbm>>) dst(%arg6 : memref<40x128xi32, #tpu.memory_space<vmem>>)
      tpu.yield
    }) : () -> ()
    %barrier3A = arith.constant 0 : index
    tpu.barrier barrier_id(%barrier3A)
    %scan3A = arith.constant 0 : i32
    %scan3A_5 = arith.constant 0 : i32
    %scan3A_6 = arith.constant 40 : i32
    %scan3A_7 = arith.addi %scan3A_5, %scan3A_6 : i32
    %scan3A_8 = arith.constant 1 : i32
    scf.for %scan3A_21 = %scan3A_5 to %scan3A_7 step %scan3A_8  : i32 {
      %dma_start3A = arith.constant 0 : i32
      %dma_start3A_22 = tpu.memref_slice %arg6[%scan3A_21, %dma_start3A] : memref<40x128xi32, #tpu.memory_space<vmem>> -> memref<1x128xi32, #tpu.memory_space<vmem>>
      %dma_start3A_23 = tpu.memref_squeeze %dma_start3A_22 : memref<1x128xi32, #tpu.memory_space<vmem>> -> memref<128xi32, #tpu.memory_space<vmem>>
      %dma_start3A_24 = arith.constant 0 : i32
      %dma_start3A_25 = arith.constant 0 : i32
      %dma_start3A_26 = tpu.memref_slice %arg8[%dma_start3A_24, %dma_start3A_25] : memref<10240x128xf32, #tpu.memory_space<vmem_shared>> -> memref<10240x128xf32, #tpu.memory_space<vmem_shared>>
      tpu.enqueue_indirect_dma source(%arg7 : memref<128x128xf32, #tpu.memory_space<vmem>>) target(%dma_start3A_26 : memref<10240x128xf32, #tpu.memory_space<vmem_shared>>) offsets(%dma_start3A_23 : memref<128xi32, #tpu.memory_space<vmem>>) semaphore(%arg9 : memref<!tpu.dma_semaphore, #tpu.memory_space<semaphore_mem>>) {add = true}
    }
    %scan3A_9 = arith.constant 40 : i32
    %scan3A_10 = arith.constant 0 : i32
    %scan3A_11 = arith.constant 0 : i32
    %scan3A_12 = arith.constant 40 : i32
    %scan3A_13 = arith.addi %scan3A_11, %scan3A_12 : i32
    %scan3A_14 = arith.constant 1 : i32
    scf.for %scan3A_21 = %scan3A_11 to %scan3A_13 step %scan3A_14  : i32 {
      %dma_wait3A = arith.constant 0 : i32
      %dma_wait3A_22 = tpu.memref_slice %arg6[%scan3A_21, %dma_wait3A] : memref<40x128xi32, #tpu.memory_space<vmem>> -> memref<1x128xi32, #tpu.memory_space<vmem>>
      %dma_wait3A_23 = tpu.memref_squeeze %dma_wait3A_22 : memref<1x128xi32, #tpu.memory_space<vmem>> -> memref<128xi32, #tpu.memory_space<vmem>>
      %dma_wait3A_24 = arith.constant 0 : i32
      %dma_wait3A_25 = arith.constant 0 : i32
      %dma_wait3A_26 = tpu.memref_slice %arg8[%dma_wait3A_24, %dma_wait3A_25] : memref<10240x128xf32, #tpu.memory_space<vmem_shared>> -> memref<10240x128xf32, #tpu.memory_space<vmem_shared>>
      tpu.wait_indirect_dma semaphore(%arg9 : memref<!tpu.dma_semaphore, #tpu.memory_space<semaphore_mem>>) src(%arg7 : memref<128x128xf32, #tpu.memory_space<vmem>>) dst(%dma_wait3A_26 : memref<10240x128xf32, #tpu.memory_space<vmem_shared>>)
    }
    %scan3A_15 = arith.constant 40 : i32
    %barrier3A_16 = arith.constant 0 : index
    tpu.barrier barrier_id(%barrier3A_16)
    %mul3A_17 = arith.constant 640 : i32
    %mul3A_18 = arith.muli %arg1, %mul3A_17 : i32
    %mul3A_19 = arith.constant 640 : i32
    %mul3A_20 = arith.muli %arg1, %mul3A_19 : i32
    "tpu.region"() ({
      %run_scoped3A = tpu.sem_alloc : memref<!tpu.dma_semaphore, #tpu.memory_space<semaphore_mem>>
      %dma_start3A = arith.constant 0 : i32
      %dma_start3A_21 = tpu.memref_slice %arg5[%arg0, %mul3A_20, %dma_start3A] : memref<2x10240x128xf32, #tpu.memory_space<hbm>> -> memref<1x640x128xf32, #tpu.memory_space<hbm>>
      %dma_start3A_22 = tpu.memref_squeeze %dma_start3A_21 : memref<1x640x128xf32, #tpu.memory_space<hbm>> -> memref<640x128xf32, #tpu.memory_space<hbm>>
      %dma_start3A_23 = arith.constant 0 : i32
      %dma_start3A_24 = tpu.memref_slice %arg8[%mul3A_18, %dma_start3A_23] : memref<10240x128xf32, #tpu.memory_space<vmem_shared>> -> memref<640x128xf32, #tpu.memory_space<vmem_shared>>
      tpu.enqueue_dma source(%dma_start3A_24 : memref<640x128xf32, #tpu.memory_space<vmem_shared>>) target(%dma_start3A_22 : memref<640x128xf32, #tpu.memory_space<hbm>>) target_semaphore(%run_scoped3A : memref<!tpu.dma_semaphore, #tpu.memory_space<semaphore_mem>>)
      %dma_wait3A = arith.constant 0 : i32
      %dma_wait3A_25 = tpu.memref_slice %arg5[%arg0, %mul3A_20, %dma_wait3A] : memref<2x10240x128xf32, #tpu.memory_space<hbm>> -> memref<1x640x128xf32, #tpu.memory_space<hbm>>
      %dma_wait3A_26 = tpu.memref_squeeze %dma_wait3A_25 : memref<1x640x128xf32, #tpu.memory_space<hbm>> -> memref<640x128xf32, #tpu.memory_space<hbm>>
      %dma_wait3A_27 = arith.constant 0 : i32
      %dma_wait3A_28 = tpu.memref_slice %arg8[%mul3A_18, %dma_wait3A_27] : memref<10240x128xf32, #tpu.memory_space<vmem_shared>> -> memref<640x128xf32, #tpu.memory_space<vmem_shared>>
      tpu.wait_dma2 semaphore(%run_scoped3A : memref<!tpu.dma_semaphore, #tpu.memory_space<semaphore_mem>>) src(%dma_wait3A_28 : memref<640x128xf32, #tpu.memory_space<vmem_shared>>) dst(%dma_wait3A_26 : memref<640x128xf32, #tpu.memory_space<hbm>>)
      tpu.yield
    }) : () -> ()
    return
  }
}

#map = affine_map<(d0, d1) -> (0, 0)>
#map1 = affine_map<(d0, d1) -> (0, 0, 0)>
module attributes {stable_mosaic.version = 14 : i64} {
  func.func @_scat_body(%arg0: i32, %arg1: i32, %arg2: memref<10240x128xf32, #tpu.memory_space<hbm>>, %arg3: memref<1280x128xi32, #tpu.memory_space<hbm>>, %arg4: memref<1280x128xi32, #tpu.memory_space<hbm>>, %arg5: memref<640x128xf32, #tpu.memory_space<hbm>>, %arg6: memref<2x10240x128xf32, #tpu.memory_space<hbm>>, %arg7: memref<40x128xi32, #tpu.memory_space<vmem>>, %arg8: memref<40x128xi32, #tpu.memory_space<vmem>>, %arg9: memref<128x128xf32, #tpu.memory_space<vmem>>, %arg10: memref<10240x128xf32, #tpu.memory_space<vmem_shared>>, %arg11: memref<!tpu.dma_semaphore, #tpu.memory_space<semaphore_mem>>, %arg12: memref<!tpu.dma_semaphore, #tpu.memory_space<semaphore_mem>>, %arg13: memref<!tpu.dma_semaphore, #tpu.memory_space<semaphore_mem>>, %arg14: memref<!tpu.dma_semaphore, #tpu.memory_space<semaphore_mem>>) attributes {dimension_semantics = [#tpu.dimension_semantics<core_parallel>, #tpu.dimension_semantics<subcore_parallel>], iteration_bounds = array<i64: 2, 16>, scalar_prefetch = 0 : i64, scratch_operands = 8 : i64, tpu.core_type = #tpu.core_type<sc_vector_subcore>, window_params = [{transform_indices = #map}, {transform_indices = #map}, {transform_indices = #map}, {transform_indices = #map}, {transform_indices = #map1}]} {
    %mul3A = arith.constant 16 : i32
    %mul3A_0 = arith.muli %arg0, %mul3A : i32
    %add3A = arith.addi %mul3A_0, %arg1 : i32
    %mul3A_1 = arith.constant 640 : i32
    %mul3A_2 = arith.muli %arg1, %mul3A_1 : i32
    "tpu.region"() ({
      %run_scoped3A = tpu.sem_alloc : memref<!tpu.dma_semaphore, #tpu.memory_space<semaphore_mem>>
      %dma_start3A = arith.constant 0 : i32
      %dma_start3A_17 = tpu.memref_slice %arg10[%mul3A_2, %dma_start3A] : memref<10240x128xf32, #tpu.memory_space<vmem_shared>> -> memref<640x128xf32, #tpu.memory_space<vmem_shared>>
      tpu.enqueue_dma source(%arg5 : memref<640x128xf32, #tpu.memory_space<hbm>>) target(%dma_start3A_17 : memref<640x128xf32, #tpu.memory_space<vmem_shared>>) target_semaphore(%run_scoped3A : memref<!tpu.dma_semaphore, #tpu.memory_space<semaphore_mem>>)
      %dma_wait3A = arith.constant 0 : i32
      %dma_wait3A_18 = tpu.memref_slice %arg10[%mul3A_2, %dma_wait3A] : memref<10240x128xf32, #tpu.memory_space<vmem_shared>> -> memref<640x128xf32, #tpu.memory_space<vmem_shared>>
      tpu.wait_dma2 semaphore(%run_scoped3A : memref<!tpu.dma_semaphore, #tpu.memory_space<semaphore_mem>>) src(%arg5 : memref<640x128xf32, #tpu.memory_space<hbm>>) dst(%dma_wait3A_18 : memref<640x128xf32, #tpu.memory_space<vmem_shared>>)
      tpu.yield
    }) : () -> ()
    %mul3A_3 = arith.constant 40 : i32
    %mul3A_4 = arith.muli %add3A, %mul3A_3 : i32
    "tpu.region"() ({
      %run_scoped3A = tpu.sem_alloc : memref<!tpu.dma_semaphore, #tpu.memory_space<semaphore_mem>>
      %dma_start3A = arith.constant 0 : i32
      %dma_start3A_17 = tpu.memref_slice %arg3[%mul3A_4, %dma_start3A] : memref<1280x128xi32, #tpu.memory_space<hbm>> -> memref<40x128xi32, #tpu.memory_space<hbm>>
      %dma_start3A_18 = arith.constant 0 : i32
      %dma_start3A_19 = tpu.memref_slice %arg3[%mul3A_4, %dma_start3A_18] : memref<1280x128xi32, #tpu.memory_space<hbm>> -> memref<40x128xi32, #tpu.memory_space<hbm>>
      tpu.enqueue_dma source(%dma_start3A_19 : memref<40x128xi32, #tpu.memory_space<hbm>>) target(%arg7 : memref<40x128xi32, #tpu.memory_space<vmem>>) target_semaphore(%run_scoped3A : memref<!tpu.dma_semaphore, #tpu.memory_space<semaphore_mem>>)
      %dma_wait3A = arith.constant 0 : i32
      %dma_wait3A_20 = tpu.memref_slice %arg3[%mul3A_4, %dma_wait3A] : memref<1280x128xi32, #tpu.memory_space<hbm>> -> memref<40x128xi32, #tpu.memory_space<hbm>>
      %dma_wait3A_21 = arith.constant 0 : i32
      %dma_wait3A_22 = tpu.memref_slice %arg3[%mul3A_4, %dma_wait3A_21] : memref<1280x128xi32, #tpu.memory_space<hbm>> -> memref<40x128xi32, #tpu.memory_space<hbm>>
      tpu.wait_dma2 semaphore(%run_scoped3A : memref<!tpu.dma_semaphore, #tpu.memory_space<semaphore_mem>>) src(%dma_wait3A_22 : memref<40x128xi32, #tpu.memory_space<hbm>>) dst(%arg7 : memref<40x128xi32, #tpu.memory_space<vmem>>)
      tpu.yield
    }) : () -> ()
    %mul3A_5 = arith.constant 40 : i32
    %mul3A_6 = arith.muli %add3A, %mul3A_5 : i32
    "tpu.region"() ({
      %run_scoped3A = tpu.sem_alloc : memref<!tpu.dma_semaphore, #tpu.memory_space<semaphore_mem>>
      %dma_start3A = arith.constant 0 : i32
      %dma_start3A_17 = tpu.memref_slice %arg4[%mul3A_6, %dma_start3A] : memref<1280x128xi32, #tpu.memory_space<hbm>> -> memref<40x128xi32, #tpu.memory_space<hbm>>
      %dma_start3A_18 = arith.constant 0 : i32
      %dma_start3A_19 = tpu.memref_slice %arg4[%mul3A_6, %dma_start3A_18] : memref<1280x128xi32, #tpu.memory_space<hbm>> -> memref<40x128xi32, #tpu.memory_space<hbm>>
      tpu.enqueue_dma source(%dma_start3A_19 : memref<40x128xi32, #tpu.memory_space<hbm>>) target(%arg8 : memref<40x128xi32, #tpu.memory_space<vmem>>) target_semaphore(%run_scoped3A : memref<!tpu.dma_semaphore, #tpu.memory_space<semaphore_mem>>)
      %dma_wait3A = arith.constant 0 : i32
      %dma_wait3A_20 = tpu.memref_slice %arg4[%mul3A_6, %dma_wait3A] : memref<1280x128xi32, #tpu.memory_space<hbm>> -> memref<40x128xi32, #tpu.memory_space<hbm>>
      %dma_wait3A_21 = arith.constant 0 : i32
      %dma_wait3A_22 = tpu.memref_slice %arg4[%mul3A_6, %dma_wait3A_21] : memref<1280x128xi32, #tpu.memory_space<hbm>> -> memref<40x128xi32, #tpu.memory_space<hbm>>
      tpu.wait_dma2 semaphore(%run_scoped3A : memref<!tpu.dma_semaphore, #tpu.memory_space<semaphore_mem>>) src(%dma_wait3A_22 : memref<40x128xi32, #tpu.memory_space<hbm>>) dst(%arg8 : memref<40x128xi32, #tpu.memory_space<vmem>>)
      tpu.yield
    }) : () -> ()
    %barrier3A = arith.constant 0 : index
    tpu.barrier barrier_id(%barrier3A)
    %scan3A = arith.constant 0 : i32
    %scan3A_7 = arith.constant 0 : i32
    %scan3A_8 = arith.constant 40 : i32
    %scan3A_9 = arith.addi %scan3A_7, %scan3A_8 : i32
    %scan3A_10 = arith.constant 1 : i32
    scf.for %scan3A_17 = %scan3A_7 to %scan3A_9 step %scan3A_10  : i32 {
      %dma_start3A = arith.constant 0 : i32
      %dma_start3A_18 = arith.constant 0 : i32
      %dma_start3A_19 = tpu.memref_slice %arg9[%dma_start3A, %dma_start3A_18] : memref<128x128xf32, #tpu.memory_space<vmem>> -> memref<32x128xf32, #tpu.memory_space<vmem>>
      %dma_start3A_20 = arith.constant 0 : i32
      %dma_start3A_21 = tpu.memref_slice %arg7[%scan3A_17, %dma_start3A_20] : memref<40x128xi32, #tpu.memory_space<vmem>> -> memref<1x32xi32, #tpu.memory_space<vmem>>
      %dma_start3A_22 = tpu.memref_squeeze %dma_start3A_21 : memref<1x32xi32, #tpu.memory_space<vmem>> -> memref<32xi32, #tpu.memory_space<vmem>>
      %dma_start3A_23 = arith.constant 0 : i32
      %dma_start3A_24 = arith.constant 0 : i32
      %dma_start3A_25 = tpu.memref_slice %arg2[%dma_start3A_23, %dma_start3A_24] : memref<10240x128xf32, #tpu.memory_space<hbm>> -> memref<10240x128xf32, #tpu.memory_space<hbm>>
      tpu.enqueue_indirect_dma source(%dma_start3A_25 : memref<10240x128xf32, #tpu.memory_space<hbm>>) target(%dma_start3A_19 : memref<32x128xf32, #tpu.memory_space<vmem>>) offsets(%dma_start3A_22 : memref<32xi32, #tpu.memory_space<vmem>>) semaphore(%arg11 : memref<!tpu.dma_semaphore, #tpu.memory_space<semaphore_mem>>)
      %dma_start3A_26 = arith.constant 32 : i32
      %dma_start3A_27 = arith.constant 0 : i32
      %dma_start3A_28 = tpu.memref_slice %arg9[%dma_start3A_26, %dma_start3A_27] : memref<128x128xf32, #tpu.memory_space<vmem>> -> memref<32x128xf32, #tpu.memory_space<vmem>>
      %dma_start3A_29 = arith.constant 32 : i32
      %dma_start3A_30 = tpu.memref_slice %arg7[%scan3A_17, %dma_start3A_29] : memref<40x128xi32, #tpu.memory_space<vmem>> -> memref<1x32xi32, #tpu.memory_space<vmem>>
      %dma_start3A_31 = tpu.memref_squeeze %dma_start3A_30 : memref<1x32xi32, #tpu.memory_space<vmem>> -> memref<32xi32, #tpu.memory_space<vmem>>
      %dma_start3A_32 = arith.constant 0 : i32
      %dma_start3A_33 = arith.constant 0 : i32
      %dma_start3A_34 = tpu.memref_slice %arg2[%dma_start3A_32, %dma_start3A_33] : memref<10240x128xf32, #tpu.memory_space<hbm>> -> memref<10240x128xf32, #tpu.memory_space<hbm>>
      tpu.enqueue_indirect_dma source(%dma_start3A_34 : memref<10240x128xf32, #tpu.memory_space<hbm>>) target(%dma_start3A_28 : memref<32x128xf32, #tpu.memory_space<vmem>>) offsets(%dma_start3A_31 : memref<32xi32, #tpu.memory_space<vmem>>) semaphore(%arg12 : memref<!tpu.dma_semaphore, #tpu.memory_space<semaphore_mem>>)
      %dma_start3A_35 = arith.constant 64 : i32
      %dma_start3A_36 = arith.constant 0 : i32
      %dma_start3A_37 = tpu.memref_slice %arg9[%dma_start3A_35, %dma_start3A_36] : memref<128x128xf32, #tpu.memory_space<vmem>> -> memref<32x128xf32, #tpu.memory_space<vmem>>
      %dma_start3A_38 = arith.constant 64 : i32
      %dma_start3A_39 = tpu.memref_slice %arg7[%scan3A_17, %dma_start3A_38] : memref<40x128xi32, #tpu.memory_space<vmem>> -> memref<1x32xi32, #tpu.memory_space<vmem>>
      %dma_start3A_40 = tpu.memref_squeeze %dma_start3A_39 : memref<1x32xi32, #tpu.memory_space<vmem>> -> memref<32xi32, #tpu.memory_space<vmem>>
      %dma_start3A_41 = arith.constant 0 : i32
      %dma_start3A_42 = arith.constant 0 : i32
      %dma_start3A_43 = tpu.memref_slice %arg2[%dma_start3A_41, %dma_start3A_42] : memref<10240x128xf32, #tpu.memory_space<hbm>> -> memref<10240x128xf32, #tpu.memory_space<hbm>>
      tpu.enqueue_indirect_dma source(%dma_start3A_43 : memref<10240x128xf32, #tpu.memory_space<hbm>>) target(%dma_start3A_37 : memref<32x128xf32, #tpu.memory_space<vmem>>) offsets(%dma_start3A_40 : memref<32xi32, #tpu.memory_space<vmem>>) semaphore(%arg13 : memref<!tpu.dma_semaphore, #tpu.memory_space<semaphore_mem>>)
      %dma_start3A_44 = arith.constant 96 : i32
      %dma_start3A_45 = arith.constant 0 : i32
      %dma_start3A_46 = tpu.memref_slice %arg9[%dma_start3A_44, %dma_start3A_45] : memref<128x128xf32, #tpu.memory_space<vmem>> -> memref<32x128xf32, #tpu.memory_space<vmem>>
      %dma_start3A_47 = arith.constant 96 : i32
      %dma_start3A_48 = tpu.memref_slice %arg7[%scan3A_17, %dma_start3A_47] : memref<40x128xi32, #tpu.memory_space<vmem>> -> memref<1x32xi32, #tpu.memory_space<vmem>>
      %dma_start3A_49 = tpu.memref_squeeze %dma_start3A_48 : memref<1x32xi32, #tpu.memory_space<vmem>> -> memref<32xi32, #tpu.memory_space<vmem>>
      %dma_start3A_50 = arith.constant 0 : i32
      %dma_start3A_51 = arith.constant 0 : i32
      %dma_start3A_52 = tpu.memref_slice %arg2[%dma_start3A_50, %dma_start3A_51] : memref<10240x128xf32, #tpu.memory_space<hbm>> -> memref<10240x128xf32, #tpu.memory_space<hbm>>
      tpu.enqueue_indirect_dma source(%dma_start3A_52 : memref<10240x128xf32, #tpu.memory_space<hbm>>) target(%dma_start3A_46 : memref<32x128xf32, #tpu.memory_space<vmem>>) offsets(%dma_start3A_49 : memref<32xi32, #tpu.memory_space<vmem>>) semaphore(%arg14 : memref<!tpu.dma_semaphore, #tpu.memory_space<semaphore_mem>>)
      %dma_wait3A = arith.constant 0 : i32
      %dma_wait3A_53 = arith.constant 0 : i32
      %dma_wait3A_54 = tpu.memref_slice %arg9[%dma_wait3A, %dma_wait3A_53] : memref<128x128xf32, #tpu.memory_space<vmem>> -> memref<32x128xf32, #tpu.memory_space<vmem>>
      %dma_wait3A_55 = arith.constant 0 : i32
      %dma_wait3A_56 = tpu.memref_slice %arg7[%scan3A_17, %dma_wait3A_55] : memref<40x128xi32, #tpu.memory_space<vmem>> -> memref<1x32xi32, #tpu.memory_space<vmem>>
      %dma_wait3A_57 = tpu.memref_squeeze %dma_wait3A_56 : memref<1x32xi32, #tpu.memory_space<vmem>> -> memref<32xi32, #tpu.memory_space<vmem>>
      %dma_wait3A_58 = arith.constant 0 : i32
      %dma_wait3A_59 = arith.constant 0 : i32
      %dma_wait3A_60 = tpu.memref_slice %arg2[%dma_wait3A_58, %dma_wait3A_59] : memref<10240x128xf32, #tpu.memory_space<hbm>> -> memref<10240x128xf32, #tpu.memory_space<hbm>>
      tpu.wait_indirect_dma semaphore(%arg11 : memref<!tpu.dma_semaphore, #tpu.memory_space<semaphore_mem>>) src(%dma_wait3A_60 : memref<10240x128xf32, #tpu.memory_space<hbm>>) dst(%dma_wait3A_54 : memref<32x128xf32, #tpu.memory_space<vmem>>)
      %dma_wait3A_61 = arith.constant 32 : i32
      %dma_wait3A_62 = arith.constant 0 : i32
      %dma_wait3A_63 = tpu.memref_slice %arg9[%dma_wait3A_61, %dma_wait3A_62] : memref<128x128xf32, #tpu.memory_space<vmem>> -> memref<32x128xf32, #tpu.memory_space<vmem>>
      %dma_wait3A_64 = arith.constant 32 : i32
      %dma_wait3A_65 = tpu.memref_slice %arg7[%scan3A_17, %dma_wait3A_64] : memref<40x128xi32, #tpu.memory_space<vmem>> -> memref<1x32xi32, #tpu.memory_space<vmem>>
      %dma_wait3A_66 = tpu.memref_squeeze %dma_wait3A_65 : memref<1x32xi32, #tpu.memory_space<vmem>> -> memref<32xi32, #tpu.memory_space<vmem>>
      %dma_wait3A_67 = arith.constant 0 : i32
      %dma_wait3A_68 = arith.constant 0 : i32
      %dma_wait3A_69 = tpu.memref_slice %arg2[%dma_wait3A_67, %dma_wait3A_68] : memref<10240x128xf32, #tpu.memory_space<hbm>> -> memref<10240x128xf32, #tpu.memory_space<hbm>>
      tpu.wait_indirect_dma semaphore(%arg12 : memref<!tpu.dma_semaphore, #tpu.memory_space<semaphore_mem>>) src(%dma_wait3A_69 : memref<10240x128xf32, #tpu.memory_space<hbm>>) dst(%dma_wait3A_63 : memref<32x128xf32, #tpu.memory_space<vmem>>)
      %dma_wait3A_70 = arith.constant 64 : i32
      %dma_wait3A_71 = arith.constant 0 : i32
      %dma_wait3A_72 = tpu.memref_slice %arg9[%dma_wait3A_70, %dma_wait3A_71] : memref<128x128xf32, #tpu.memory_space<vmem>> -> memref<32x128xf32, #tpu.memory_space<vmem>>
      %dma_wait3A_73 = arith.constant 64 : i32
      %dma_wait3A_74 = tpu.memref_slice %arg7[%scan3A_17, %dma_wait3A_73] : memref<40x128xi32, #tpu.memory_space<vmem>> -> memref<1x32xi32, #tpu.memory_space<vmem>>
      %dma_wait3A_75 = tpu.memref_squeeze %dma_wait3A_74 : memref<1x32xi32, #tpu.memory_space<vmem>> -> memref<32xi32, #tpu.memory_space<vmem>>
      %dma_wait3A_76 = arith.constant 0 : i32
      %dma_wait3A_77 = arith.constant 0 : i32
      %dma_wait3A_78 = tpu.memref_slice %arg2[%dma_wait3A_76, %dma_wait3A_77] : memref<10240x128xf32, #tpu.memory_space<hbm>> -> memref<10240x128xf32, #tpu.memory_space<hbm>>
      tpu.wait_indirect_dma semaphore(%arg13 : memref<!tpu.dma_semaphore, #tpu.memory_space<semaphore_mem>>) src(%dma_wait3A_78 : memref<10240x128xf32, #tpu.memory_space<hbm>>) dst(%dma_wait3A_72 : memref<32x128xf32, #tpu.memory_space<vmem>>)
      %dma_wait3A_79 = arith.constant 96 : i32
      %dma_wait3A_80 = arith.constant 0 : i32
      %dma_wait3A_81 = tpu.memref_slice %arg9[%dma_wait3A_79, %dma_wait3A_80] : memref<128x128xf32, #tpu.memory_space<vmem>> -> memref<32x128xf32, #tpu.memory_space<vmem>>
      %dma_wait3A_82 = arith.constant 96 : i32
      %dma_wait3A_83 = tpu.memref_slice %arg7[%scan3A_17, %dma_wait3A_82] : memref<40x128xi32, #tpu.memory_space<vmem>> -> memref<1x32xi32, #tpu.memory_space<vmem>>
      %dma_wait3A_84 = tpu.memref_squeeze %dma_wait3A_83 : memref<1x32xi32, #tpu.memory_space<vmem>> -> memref<32xi32, #tpu.memory_space<vmem>>
      %dma_wait3A_85 = arith.constant 0 : i32
      %dma_wait3A_86 = arith.constant 0 : i32
      %dma_wait3A_87 = tpu.memref_slice %arg2[%dma_wait3A_85, %dma_wait3A_86] : memref<10240x128xf32, #tpu.memory_space<hbm>> -> memref<10240x128xf32, #tpu.memory_space<hbm>>
      tpu.wait_indirect_dma semaphore(%arg14 : memref<!tpu.dma_semaphore, #tpu.memory_space<semaphore_mem>>) src(%dma_wait3A_87 : memref<10240x128xf32, #tpu.memory_space<hbm>>) dst(%dma_wait3A_81 : memref<32x128xf32, #tpu.memory_space<vmem>>)
      "tpu.region"() ({
        %run_scoped3A = tpu.sem_alloc : memref<!tpu.dma_semaphore, #tpu.memory_space<semaphore_mem>>
        %dma_start3A_88 = arith.constant 0 : i32
        %dma_start3A_89 = tpu.memref_slice %arg8[%scan3A_17, %dma_start3A_88] : memref<40x128xi32, #tpu.memory_space<vmem>> -> memref<1x128xi32, #tpu.memory_space<vmem>>
        %dma_start3A_90 = tpu.memref_squeeze %dma_start3A_89 : memref<1x128xi32, #tpu.memory_space<vmem>> -> memref<128xi32, #tpu.memory_space<vmem>>
        %dma_start3A_91 = arith.constant 0 : i32
        %dma_start3A_92 = arith.constant 0 : i32
        %dma_start3A_93 = tpu.memref_slice %arg10[%dma_start3A_91, %dma_start3A_92] : memref<10240x128xf32, #tpu.memory_space<vmem_shared>> -> memref<10240x128xf32, #tpu.memory_space<vmem_shared>>
        tpu.enqueue_indirect_dma source(%arg9 : memref<128x128xf32, #tpu.memory_space<vmem>>) target(%dma_start3A_93 : memref<10240x128xf32, #tpu.memory_space<vmem_shared>>) offsets(%dma_start3A_90 : memref<128xi32, #tpu.memory_space<vmem>>) semaphore(%run_scoped3A : memref<!tpu.dma_semaphore, #tpu.memory_space<semaphore_mem>>) {add = true}
        %dma_wait3A_94 = arith.constant 0 : i32
        %dma_wait3A_95 = tpu.memref_slice %arg8[%scan3A_17, %dma_wait3A_94] : memref<40x128xi32, #tpu.memory_space<vmem>> -> memref<1x128xi32, #tpu.memory_space<vmem>>
        %dma_wait3A_96 = tpu.memref_squeeze %dma_wait3A_95 : memref<1x128xi32, #tpu.memory_space<vmem>> -> memref<128xi32, #tpu.memory_space<vmem>>
        %dma_wait3A_97 = arith.constant 0 : i32
        %dma_wait3A_98 = arith.constant 0 : i32
        %dma_wait3A_99 = tpu.memref_slice %arg10[%dma_wait3A_97, %dma_wait3A_98] : memref<10240x128xf32, #tpu.memory_space<vmem_shared>> -> memref<10240x128xf32, #tpu.memory_space<vmem_shared>>
        tpu.wait_indirect_dma semaphore(%run_scoped3A : memref<!tpu.dma_semaphore, #tpu.memory_space<semaphore_mem>>) src(%arg9 : memref<128x128xf32, #tpu.memory_space<vmem>>) dst(%dma_wait3A_99 : memref<10240x128xf32, #tpu.memory_space<vmem_shared>>)
        tpu.yield
      }) : () -> ()
    }
    %scan3A_11 = arith.constant 40 : i32
    %barrier3A_12 = arith.constant 0 : index
    tpu.barrier barrier_id(%barrier3A_12)
    %mul3A_13 = arith.constant 640 : i32
    %mul3A_14 = arith.muli %arg1, %mul3A_13 : i32
    %mul3A_15 = arith.constant 640 : i32
    %mul3A_16 = arith.muli %arg1, %mul3A_15 : i32
    "tpu.region"() ({
      %run_scoped3A = tpu.sem_alloc : memref<!tpu.dma_semaphore, #tpu.memory_space<semaphore_mem>>
      %dma_start3A = arith.constant 0 : i32
      %dma_start3A_17 = tpu.memref_slice %arg6[%arg0, %mul3A_16, %dma_start3A] : memref<2x10240x128xf32, #tpu.memory_space<hbm>> -> memref<1x640x128xf32, #tpu.memory_space<hbm>>
      %dma_start3A_18 = tpu.memref_squeeze %dma_start3A_17 : memref<1x640x128xf32, #tpu.memory_space<hbm>> -> memref<640x128xf32, #tpu.memory_space<hbm>>
      %dma_start3A_19 = arith.constant 0 : i32
      %dma_start3A_20 = tpu.memref_slice %arg10[%mul3A_14, %dma_start3A_19] : memref<10240x128xf32, #tpu.memory_space<vmem_shared>> -> memref<640x128xf32, #tpu.memory_space<vmem_shared>>
      tpu.enqueue_dma source(%dma_start3A_20 : memref<640x128xf32, #tpu.memory_space<vmem_shared>>) target(%dma_start3A_18 : memref<640x128xf32, #tpu.memory_space<hbm>>) target_semaphore(%run_scoped3A : memref<!tpu.dma_semaphore, #tpu.memory_space<semaphore_mem>>)
      %dma_wait3A = arith.constant 0 : i32
      %dma_wait3A_21 = tpu.memref_slice %arg6[%arg0, %mul3A_16, %dma_wait3A] : memref<2x10240x128xf32, #tpu.memory_space<hbm>> -> memref<1x640x128xf32, #tpu.memory_space<hbm>>
      %dma_wait3A_22 = tpu.memref_squeeze %dma_wait3A_21 : memref<1x640x128xf32, #tpu.memory_space<hbm>> -> memref<640x128xf32, #tpu.memory_space<hbm>>
      %dma_wait3A_23 = arith.constant 0 : i32
      %dma_wait3A_24 = tpu.memref_slice %arg10[%mul3A_14, %dma_wait3A_23] : memref<10240x128xf32, #tpu.memory_space<vmem_shared>> -> memref<640x128xf32, #tpu.memory_space<vmem_shared>>
      tpu.wait_dma2 semaphore(%run_scoped3A : memref<!tpu.dma_semaphore, #tpu.memory_space<semaphore_mem>>) src(%dma_wait3A_24 : memref<640x128xf32, #tpu.memory_space<vmem_shared>>) dst(%dma_wait3A_22 : memref<640x128xf32, #tpu.memory_space<hbm>>)
      tpu.yield
    }) : () -> ()
    return
  }
}

module attributes {stable_mosaic.version = 14 : i64} {
  func.func @_mm_body(%arg0: i32, %arg1: memref<256x256xf32, #tpu.memory_space<vmem>>, %arg2: memref<256x128xf32, #tpu.memory_space<vmem>>, %arg3: memref<256x128xf32, #tpu.memory_space<vmem>>) attributes {dimension_semantics = [#tpu.dimension_semantics<arbitrary>], iteration_bounds = array<i64: 40>, scalar_prefetch = 0 : i64, scratch_operands = 0 : i64, tpu.core_type = #tpu.core_type<tc>, window_params = [{transform_indices = @transform_0, window_bounds = array<i64: 256, 256>}, {pipeline_mode = #tpu.pipeline_mode<synchronous>, transform_indices = @transform_1, window_bounds = array<i64: 256, 128>}, {transform_indices = @transform_2, window_bounds = array<i64: 256, 128>}]} {
    %get3A = arith.constant 0 : index
    %get3A_0 = arith.constant 0 : index
    %get3A_1 = vector.load %arg1[%get3A, %get3A_0] : memref<256x256xf32, #tpu.memory_space<vmem>>, vector<256x256xf32>
    %get3A_2 = arith.constant 0 : index
    %get3A_3 = arith.constant 0 : index
    %get3A_4 = vector.load %arg2[%get3A_2, %get3A_3] : memref<256x128xf32, #tpu.memory_space<vmem>>, vector<256x128xf32>
    %dot_general3A = arith.constant dense<0.000000e+00> : vector<256x128xf32>
    %dot_general3A_5 = tpu.matmul %get3A_1, %get3A_4, %dot_general3A {dimension_numbers = #tpu.dot_dimension_numbers<[1], [0], [0], [1], [0, 0, 1, 1], [], []>, transpose_lhs_hint = false} : vector<256x256xf32>, vector<256x128xf32>, vector<256x128xf32> -> vector<256x128xf32>
    %swap3A = arith.constant 0 : index
    %swap3A_6 = arith.constant 0 : index
    %swap3A_7 = vector.load %arg3[%swap3A, %swap3A_6] : memref<256x128xf32, #tpu.memory_space<vmem>>, vector<256x128xf32>
    tpu.vector_store %arg3[%swap3A, %swap3A_6], %dot_general3A_5 {strides = array<i32>} : memref<256x128xf32, #tpu.memory_space<vmem>>, vector<256x128xf32>,
    return
  }
  func.func @transform_0(%arg0: i32) -> (i32, i32) {
    %c0_i32 = arith.constant 0 : i32
    %c0_i32_0 = arith.constant 0 : i32
    return %arg0, %c0_i32 : i32, i32
  }
  func.func @transform_1(%arg0: i32) -> (i32, i32) {
    %c0_i32 = arith.constant 0 : i32
    %c0_i32_0 = arith.constant 0 : i32
    %c0_i32_1 = arith.constant 0 : i32
    return %c0_i32, %c0_i32_0 : i32, i32
  }
  func.func @transform_2(%arg0: i32) -> (i32, i32) {
    %c0_i32 = arith.constant 0 : i32
    %c0_i32_0 = arith.constant 0 : i32
    return %arg0, %c0_i32 : i32, i32
  }
}

module attributes {stable_mosaic.version = 14 : i64} {
  func.func @_scale_body(%arg0: i32, %arg1: memref<256x128xf32, #tpu.memory_space<vmem>>, %arg2: memref<2x256x128xf32, #tpu.memory_space<vmem>>, %arg3: memref<256x128xf32, #tpu.memory_space<vmem>>) attributes {dimension_semantics = [#tpu.dimension_semantics<arbitrary>], iteration_bounds = array<i64: 40>, scalar_prefetch = 0 : i64, scratch_operands = 0 : i64, tpu.core_type = #tpu.core_type<tc>, window_params = [{transform_indices = @transform_0, window_bounds = array<i64: 256, 128>}, {transform_indices = @transform_1, window_bounds = array<i64: 2, 256, 128>}, {transform_indices = @transform_2, window_bounds = array<i64: 256, 128>}]} {
    %get3A = arith.constant 0 : index
    %get3A_0 = arith.constant 0 : index
    %get3A_1 = arith.constant 0 : index
    %get3A_2 = vector.load %arg2[%get3A, %get3A_0, %get3A_1] : memref<2x256x128xf32, #tpu.memory_space<vmem>>, vector<2x256x128xf32>
    %slice3A = vector.extract_strided_slice %get3A_2 {offsets = [0, 0, 0], sizes = [1, 256, 128], strides = [1, 1, 1]} : vector<2x256x128xf32> to vector<1x256x128xf32>
    %squeeze3A = vector.shape_cast %slice3A : vector<1x256x128xf32> to vector<256x128xf32>
    %slice3A_3 = vector.extract_strided_slice %get3A_2 {offsets = [1, 0, 0], sizes = [1, 256, 128], strides = [1, 1, 1]} : vector<2x256x128xf32> to vector<1x256x128xf32>
    %squeeze3A_4 = vector.shape_cast %slice3A_3 : vector<1x256x128xf32> to vector<256x128xf32>
    %add3A = arith.addf %squeeze3A, %squeeze3A_4 : vector<256x128xf32>
    %reduce_sum3A = arith.constant dense<0.000000e+00> : vector<256xf32>
    %reduce_sum3A_5 = vector.multi_reduction <add>, %add3A, %reduce_sum3A [1] : vector<256x128xf32> to vector<256xf32>
    %broadcast_in_dim3A = vector.shape_cast %reduce_sum3A_5 : vector<256xf32> to vector<256x1xf32>
    %add3A_6 = arith.constant 1.000000e+00 : f32
    %add3A_7 = vector.broadcast %add3A_6 : f32 to vector<256x1xf32>
    %add3A_8 = arith.addf %broadcast_in_dim3A, %add3A_7 : vector<256x1xf32>
    %rsqrt3A = math.rsqrt %add3A_8 : vector<256x1xf32>
    %get3A_9 = arith.constant 0 : index
    %get3A_10 = arith.constant 0 : index
    %get3A_11 = vector.load %arg1[%get3A_9, %get3A_10] : memref<256x128xf32, #tpu.memory_space<vmem>>, vector<256x128xf32>
    %mul3A = vector.broadcast %rsqrt3A : vector<256x1xf32> to vector<256x128xf32>
    %mul3A_12 = arith.mulf %get3A_11, %mul3A : vector<256x128xf32>
    %swap3A = arith.constant 0 : index
    %swap3A_13 = arith.constant 0 : index
    %swap3A_14 = vector.load %arg3[%swap3A, %swap3A_13] : memref<256x128xf32, #tpu.memory_space<vmem>>, vector<256x128xf32>
    tpu.vector_store %arg3[%swap3A, %swap3A_13], %mul3A_12 {strides = array<i32>} : memref<256x128xf32, #tpu.memory_space<vmem>>, vector<256x128xf32>,
    return
  }
  func.func @transform_0(%arg0: i32) -> (i32, i32) {
    %c0_i32 = arith.constant 0 : i32
    %c0_i32_0 = arith.constant 0 : i32
    return %arg0, %c0_i32 : i32, i32
  }
  func.func @transform_1(%arg0: i32) -> (i32, i32, i32) {
    %c0_i32 = arith.constant 0 : i32
    %c0_i32_0 = arith.constant 0 : i32
    %c0_i32_1 = arith.constant 0 : i32
    return %c0_i32, %arg0, %c0_i32_0 : i32, i32, i32
  }
  func.func @transform_2(%arg0: i32) -> (i32, i32) {
    %c0_i32 = arith.constant 0 : i32
    %c0_i32_0 = arith.constant 0 : i32
    return %arg0, %c0_i32 : i32, i32
  }
}

module attributes {stable_mosaic.version = 14 : i64} {
  func.func @_tail_body(%arg0: i32, %arg1: memref<2x256x128xf32, #tpu.memory_space<vmem>>, %arg2: memref<256x128xf32, #tpu.memory_space<vmem>>, %arg3: memref<2x256x128xf32, #tpu.memory_space<vmem>>, %arg4: memref<1x128xf32, #tpu.memory_space<vmem>>, %arg5: memref<128x8xf32, #tpu.memory_space<vmem>>, %arg6: memref<1x8xf32, #tpu.memory_space<vmem>>, %arg7: memref<256x8xf32, #tpu.memory_space<vmem>>) attributes {dimension_semantics = [#tpu.dimension_semantics<arbitrary>], iteration_bounds = array<i64: 40>, scalar_prefetch = 0 : i64, scratch_operands = 0 : i64, tpu.core_type = #tpu.core_type<tc>, window_params = [{transform_indices = @transform_0, window_bounds = array<i64: 2, 256, 128>}, {transform_indices = @transform_1, window_bounds = array<i64: 256, 128>}, {transform_indices = @transform_2, window_bounds = array<i64: 2, 256, 128>}, {pipeline_mode = #tpu.pipeline_mode<synchronous>, transform_indices = @transform_3, window_bounds = array<i64: 1, 128>}, {pipeline_mode = #tpu.pipeline_mode<synchronous>, transform_indices = @transform_4, window_bounds = array<i64: 128, 8>}, {pipeline_mode = #tpu.pipeline_mode<synchronous>, transform_indices = @transform_5, window_bounds = array<i64: 1, 8>}, {transform_indices = @transform_6, window_bounds = array<i64: 256, 8>}]} {
    %get3A = arith.constant 0 : index
    %get3A_0 = arith.constant 0 : index
    %get3A_1 = arith.constant 0 : index
    %get3A_2 = vector.load %arg3[%get3A, %get3A_0, %get3A_1] : memref<2x256x128xf32, #tpu.memory_space<vmem>>, vector<2x256x128xf32>
    %slice3A = vector.extract_strided_slice %get3A_2 {offsets = [0, 0, 0], sizes = [1, 256, 128], strides = [1, 1, 1]} : vector<2x256x128xf32> to vector<1x256x128xf32>
    %squeeze3A = vector.shape_cast %slice3A : vector<1x256x128xf32> to vector<256x128xf32>
    %slice3A_3 = vector.extract_strided_slice %get3A_2 {offsets = [1, 0, 0], sizes = [1, 256, 128], strides = [1, 1, 1]} : vector<2x256x128xf32> to vector<1x256x128xf32>
    %squeeze3A_4 = vector.shape_cast %slice3A_3 : vector<1x256x128xf32> to vector<256x128xf32>
    %add3A = arith.addf %squeeze3A, %squeeze3A_4 : vector<256x128xf32>
    %reduce_sum3A = arith.constant dense<0.000000e+00> : vector<256xf32>
    %reduce_sum3A_5 = vector.multi_reduction <add>, %add3A, %reduce_sum3A [1] : vector<256x128xf32> to vector<256xf32>
    %broadcast_in_dim3A = vector.shape_cast %reduce_sum3A_5 : vector<256xf32> to vector<256x1xf32>
    %add3A_6 = arith.constant 1.000000e+00 : f32
    %add3A_7 = vector.broadcast %add3A_6 : f32 to vector<256x1xf32>
    %add3A_8 = arith.addf %broadcast_in_dim3A, %add3A_7 : vector<256x1xf32>
    %rsqrt3A = math.rsqrt %add3A_8 : vector<256x1xf32>
    %get3A_9 = arith.constant 0 : index
    %get3A_10 = arith.constant 0 : index
    %get3A_11 = arith.constant 0 : index
    %get3A_12 = vector.load %arg1[%get3A_9, %get3A_10, %get3A_11] : memref<2x256x128xf32, #tpu.memory_space<vmem>>, vector<1x256x128xf32>
    %get3A_13 = vector.shape_cast %get3A_12 : vector<1x256x128xf32> to vector<256x128xf32>
    %get3A_14 = arith.constant 1 : index
    %get3A_15 = arith.constant 0 : index
    %get3A_16 = arith.constant 0 : index
    %get3A_17 = vector.load %arg1[%get3A_14, %get3A_15, %get3A_16] : memref<2x256x128xf32, #tpu.memory_space<vmem>>, vector<1x256x128xf32>
    %get3A_18 = vector.shape_cast %get3A_17 : vector<1x256x128xf32> to vector<256x128xf32>
    %add3A_19 = arith.addf %get3A_13, %get3A_18 : vector<256x128xf32>
    %get3A_20 = arith.constant 0 : index
    %get3A_21 = arith.constant 0 : index
    %get3A_22 = vector.load %arg2[%get3A_20, %get3A_21] : memref<256x128xf32, #tpu.memory_space<vmem>>, vector<256x128xf32>
    %add3A_23 = arith.addf %add3A_19, %get3A_22 : vector<256x128xf32>
    %mul3A = vector.broadcast %rsqrt3A : vector<256x1xf32> to vector<256x128xf32>
    %mul3A_24 = arith.mulf %add3A_23, %mul3A : vector<256x128xf32>
    %get3A_25 = arith.constant 0 : index
    %get3A_26 = arith.constant 0 : index
    %get3A_27 = vector.load %arg4[%get3A_25, %get3A_26] : memref<1x128xf32, #tpu.memory_space<vmem>>, vector<1x128xf32>
    %add3A_28 = vector.broadcast %get3A_27 : vector<1x128xf32> to vector<256x128xf32>
    %add3A_29 = arith.addf %mul3A_24, %add3A_28 : vector<256x128xf32>
    %max3A = arith.constant 0.000000e+00 : f32
    %max3A_30 = vector.broadcast %max3A : f32 to vector<256x128xf32>
    %max3A_31 = arith.maximumf %add3A_29, %max3A_30 : vector<256x128xf32>
    %get3A_32 = arith.constant 0 : index
    %get3A_33 = arith.constant 0 : index
    %get3A_34 = vector.load %arg5[%get3A_32, %get3A_33] : memref<128x8xf32, #tpu.memory_space<vmem>>, vector<128x8xf32>
    %dot_general3A = arith.constant dense<0.000000e+00> : vector<256x8xf32>
    %dot_general3A_35 = tpu.matmul %max3A_31, %get3A_34, %dot_general3A {dimension_numbers = #tpu.dot_dimension_numbers<[1], [0], [0], [1], [0, 0, 1, 1], [], []>, transpose_lhs_hint = false} : vector<256x128xf32>, vector<128x8xf32>, vector<256x8xf32> -> vector<256x8xf32>
    %get3A_36 = arith.constant 0 : index
    %get3A_37 = arith.constant 0 : index
    %get3A_38 = vector.load %arg6[%get3A_36, %get3A_37] : memref<1x8xf32, #tpu.memory_space<vmem>>, vector<1x8xf32>
    %add3A_39 = vector.broadcast %get3A_38 : vector<1x8xf32> to vector<256x8xf32>
    %add3A_40 = arith.addf %dot_general3A_35, %add3A_39 : vector<256x8xf32>
    %swap3A = arith.constant 0 : index
    %swap3A_41 = arith.constant 0 : index
    %swap3A_42 = vector.load %arg7[%swap3A, %swap3A_41] : memref<256x8xf32, #tpu.memory_space<vmem>>, vector<256x8xf32>
    tpu.vector_store %arg7[%swap3A, %swap3A_41], %add3A_40 {strides = array<i32>} : memref<256x8xf32, #tpu.memory_space<vmem>>, vector<256x8xf32>,
    return
  }
  func.func @transform_0(%arg0: i32) -> (i32, i32, i32) {
    %c0_i32 = arith.constant 0 : i32
    %c0_i32_0 = arith.constant 0 : i32
    %c0_i32_1 = arith.constant 0 : i32
    return %c0_i32, %arg0, %c0_i32_0 : i32, i32, i32
  }
  func.func @transform_1(%arg0: i32) -> (i32, i32) {
    %c0_i32 = arith.constant 0 : i32
    %c0_i32_0 = arith.constant 0 : i32
    return %arg0, %c0_i32 : i32, i32
  }
  func.func @transform_2(%arg0: i32) -> (i32, i32, i32) {
    %c0_i32 = arith.constant 0 : i32
    %c0_i32_0 = arith.constant 0 : i32
    %c0_i32_1 = arith.constant 0 : i32
    return %c0_i32, %arg0, %c0_i32_0 : i32, i32, i32
  }
  func.func @transform_3(%arg0: i32) -> (i32, i32) {
    %c0_i32 = arith.constant 0 : i32
    %c0_i32_0 = arith.constant 0 : i32
    %c0_i32_1 = arith.constant 0 : i32
    return %c0_i32, %c0_i32_0 : i32, i32
  }
  func.func @transform_4(%arg0: i32) -> (i32, i32) {
    %c0_i32 = arith.constant 0 : i32
    %c0_i32_0 = arith.constant 0 : i32
    %c0_i32_1 = arith.constant 0 : i32
    return %c0_i32, %c0_i32_0 : i32, i32
  }
  func.func @transform_5(%arg0: i32) -> (i32, i32) {
    %c0_i32 = arith.constant 0 : i32
    %c0_i32_0 = arith.constant 0 : i32
    %c0_i32_1 = arith.constant 0 : i32
    return %c0_i32, %c0_i32_0 : i32, i32
  }
  func.func @transform_6(%arg0: i32) -> (i32, i32) {
    %c0_i32 = arith.constant 0 : i32
    %c0_i32_0 = arith.constant 0 : i32
    return %arg0, %c0_i32 : i32, i32
  }
}

</mosaic_0001>

<sc_bundles>
// kernel: kernel.10.cloned.1.call-start
scs
__scs_entry_jumppad:
0x0: {  	(pc) =	sbr.rel $0x88, $3  }
0x1: {  	(tag) =	ssettag $0x0;
	lr =	simm.s32 $0x1  }
0x2: {  	[smem:$0x3F9B] =	sst lr;
	_ =	strace $0xD0000000  }
0x3: {  	_ = 	snop  }
0x4: {  	_ = 	snop  }
0x5: {  	_ = 	snop  }
0x6: {  	_ = 	snop  }
0x7: {  	_ = 	snop  }
__scs_overlays_trampoline_lowered:
0x8: {  	[smem:$0x3FAA] =	sst s0  }
0x9: {  	[smem:$0x3FAB] =	sst s1  }
0xa: {  	[smem:$0x3FAC] =	sst s2  }
0xb: {  	[smem:$0x3FAD] =	sst s3  }
0xc: {  	[smem:$0x3FAE] =	sst s4  }
0xd: {  	[smem:$0x3FAF] =	sst s5  }
0xe: {  	[smem:$0x3FB0] =	sst s6  }
0xf: {  	[smem:$0x3FB1] =	sst s7  }
0x10: {  	[smem:$0x3FB2] =	sst s8  }
0x11: {  	[smem:$0x3FB3] =	sst s9;
	s0 =	simm.s32 @!p0 $0x0  }
0x12: {  	s1 =	sld [smem:$0x3F99];
	s0 =	simm.s32 @p0 $0x1  }
0x13: {  	[smem:$0x3FB4] =	sst s0;
	s0 =	simm.s32 @!p1 $0x0  }
0x14: {  	s2 =	sld [smem:$0x3F98];
	s0 =	simm.s32 @p1 $0x1  }
0x15: {  	[smem:$0x3FB5] =	sst s0;
	s0 =	simm.s32 @!p2 $0x0  }
0x16: {  	s3 =	sld [smem:$0x3FDB];
	s0 =	simm.s32 @p2 $0x1  }
0x17: {  	s4 =	simm.s32 $0x1BF5;
	[smem:$0x3FB7] =	sst s0  }
0x18: {  	s0 =	sld [smem:$0x3F9A];
	_ =	swait.ge [sflag:s4], $0x0  }
0x19: {  	s7 =	sld [smem:$0x3F9B]  }
0x1a: {  	s8 =	sadd.s32 $0xFFFFE003, lr  }
0x1b: {  	s9 =	sadd.s32 $0xFFFFFEF7, lr;
	s5 =	simm.s32 $0xFFFFFFFF;
	p2 =	slt.u32 s8, $0xFFFFF086  }
0x1c: {  	p1 =	slt.u32 s9, $0xF7A;
	s5 =	simm.s32 @!p2 $0x0  }
0x1d: {  	s5 =	simm.s32 @p1 $0x1;
	p0 =	seq.s32 s7, s2  }
0x1e: {  	s7 =	smul.u32 @!p0 $0xF7A, s2;
	p2 =	seq.s32 @!p0 s5, $0x0  }
0x1f: {  	s9 =	smul.u32 $0xF7A, s1;
	s8 =	simm.s32 @!p0 $0x1BF5;
	p2 =	por !p2, p0  }
0x20: {  	[sflag:s8] =	ssyncset.s32 @!p0 $0xFFFFF086;
	s6 =	sadd.s32 @!p0 s3, s7;
	s7 =	simm.s32 @!p0 $0x108  }
0x21: {  	s3 =	sadd.s32 s3, s9;
	s6 =	sadd.s32 @!p0 $0x88, s6;
	s7 =	simm.s32 @p2 $0x1082  }
0x22: {  	[simem:s7], [sflag:s8] =	dma.local @!p0 [hbm:s6], $0xF7A  }
0x23: {  	s9 =	sor.u32 $0xD0000000, s2;
	s6 =	simm.s32 $0x108;
	_ =	swait.ge @!p0 [sflag:s8], $0x0  }
0x24: {  	s3 =	sadd.s32 $0x88, s3;
	s6 =	simm.s32 @!p1 $0x1082;
	[sflag:s4] =	ssyncset.s32 $0xFFFFF086  }
0x25: {  	[simem:s6], [sflag:s4] =	dma.local [hbm:s3], $0xF7A  }
0x26: {  	[smem:$0x3F9B] =	sst s1;
	(tag) =	ssettag s2;
	_ =	strace s9  }
0x27: {  	s1 =	sld [smem:$0x3FAB]  }
0x28: {  	s2 =	sld [smem:$0x3FAC]  }
0x29: {  	s4 =	sld [smem:$0x3FAE]  }
0x2a: {  	p0 =	seq.s32 s5, $0x0;
	s5 =	sld [smem:$0x3FAF]  }
0x2b: {  	s6 =	sld [smem:$0x3FB0]  }
0x2c: {  	s7 =	sld [smem:$0x3FB1]  }
0x2d: {  	s3 =	simm.s32 $0x108;
	s8 =	sld [smem:$0x3FB2]  }
0x2e: {  	s3 =	simm.s32 @!p0 $0x1082;
	s9 =	sld [smem:$0x3FB3]  }
0x2f: {  	lr =	sadd.s32 s0, s3;
	s0 =	sld [smem:$0x3FAA]  }
0x30: {  	s3 =	sld [smem:$0x3FAD]  }
0x31: {  	[smem:$0x3FB6] =	sst s10  }
0x32: {  	s10 =	sld [smem:$0x3FB4];
	_ =	sdelay $0x3  }
0x33: {  	p0 =	seq.s32 s10, $0x1;
	s10 =	sld [smem:$0x3FB6];
	_ =	sdelay $0x3  }
0x34: {  	[smem:$0x3FB6] =	sst s10  }
0x35: {  	s10 =	sld [smem:$0x3FB5];
	_ =	sdelay $0x3  }
0x36: {  	p1 =	seq.s32 s10, $0x1;
	s10 =	sld [smem:$0x3FB6];
	_ =	sdelay $0x3  }
0x37: {  	[smem:$0x3FB6] =	sst s10  }
0x38: {  	s10 =	sld [smem:$0x3FB7]  }
0x39: {  	_ = 	snop;
	(pc) =	sbr.ind lr, $3  }
0x3a: {  	_ = 	snop  }
0x3b: {  	_ = 	snop  }
0x3c: {  	p2 =	seq.s32 s10, $0x1;
	s10 =	sld [smem:$0x3FB6]  }
0x3d: {  	_ =	shalt  }
0x3e: {  	_ =	shalt  }
0x3f: {  	_ =	shalt  }
0x40: {  	_ =	shalt  }
0x41: {  	_ =	shalt  }
0x42: {  	_ =	shalt  }
0x43: {  	_ =	shalt  }
0x44: {  	_ =	shalt  }
0x45: {  	_ =	shalt  }
0x46: {  	_ =	shalt  }
0x47: {  	_ =	shalt  }
0x48: {  	_ =	shalt  }
0x49: {  	_ =	shalt  }
0x4a: {  	_ =	shalt  }
0x4b: {  	_ =	shalt  }
0x4c: {  	_ =	shalt  }
0x4d: {  	_ =	shalt  }
0x4e: {  	_ =	shalt  }
0x4f: {  	_ =	shalt  }
0x50: {  	_ =	shalt  }
0x51: {  	_ =	shalt  }
0x52: {  	_ =	shalt  }
0x53: {  	_ =	shalt  }
0x54: {  	_ =	shalt  }
0x55: {  	_ =	shalt  }
0x56: {  	_ =	shalt  }
0x57: {  	_ =	shalt  }
0x58: {  	_ =	shalt  }
0x59: {  	_ =	shalt  }
0x5a: {  	_ =	shalt  }
0x5b: {  	_ =	shalt  }
0x5c: {  	_ =	shalt  }
0x5d: {  	_ =	shalt  }
0x5e: {  	_ =	shalt  }
0x5f: {  	_ =	shalt  }
0x60: {  	_ =	shalt  }
0x61: {  	_ =	shalt  }
0x62: {  	_ =	shalt  }
0x63: {  	_ =	shalt  }
0x64: {  	_ =	shalt  }
0x65: {  	_ =	shalt  }
0x66: {  	_ =	shalt  }
0x67: {  	_ =	shalt  }
0x68: {  	_ =	shalt  }
0x69: {  	_ =	shalt  }
0x6a: {  	_ =	shalt  }
0x6b: {  	_ =	shalt  }
0x6c: {  	_ =	shalt  }
0x6d: {  	_ =	shalt  }
0x6e: {  	_ =	shalt  }
0x6f: {  	_ =	shalt  }
0x70: {  	_ =	shalt  }
0x71: {  	_ =	shalt  }
0x72: {  	_ =	shalt  }
0x73: {  	_ =	shalt  }
0x74: {  	_ =	shalt  }
0x75: {  	_ =	shalt  }
0x76: {  	_ =	shalt  }
0x77: {  	_ =	shalt  }
0x78: {  	_ =	shalt  }
0x79: {  	_ =	shalt  }
0x7a: {  	_ =	shalt  }
0x7b: {  	_ =	shalt  }
0x7c: {  	_ =	shalt  }
0x7d: {  	_ =	shalt  }
0x7e: {  	_ =	shalt  }
0x7f: {  	_ =	shalt  }
0x80: {  	_ =	shalt  }
0x81: {  	_ =	shalt  }
0x82: {  	_ =	shalt  }
0x83: {  	_ =	shalt  }
0x84: {  	_ =	shalt  }
0x85: {  	_ =	shalt  }
0x86: {  	_ =	shalt  }
0x87: {  	_ =	shalt  }
.Lfunc_end0:
.L_simem_size_0:
called_computation.1_lowered:
.L_overlay_start_0:
0x88: {  	s2 =	sld [smem:$0x3FD9]  }
0x89: {  	s3 =	sld [smem:$0x3FFE];
	_ =	sdelay $0x1  }
0x8a: {  	s1 =	srdreg.scid  }
0x8b: {  	s0 =	sand.u32 $0x1, s1  }
0x8c: {  	s16 =	sshll.u32 s0, $0xA;
	s2 =	sadd.s32 s3, s2  }
0x8d: {  	s2 =	sadd.s32 s2, s16  }
0x8e: {  	[smem:$0x3FC2] =	sst s2  }
0x8f: {  	_ = 	snop  }
0x90: {  	(tm) =	ssettm $0x1  }
0x91: {  	s17 =	sld [smem:$0x3FFB];
	_ =	sdelay $0x3  }
0x92: {  	_ =	strace s17  }
0x93: {  	s2 =	sld [smem:$0x3FFC];
	_ =	sdelay $0x3  }
0x94: {  	_ =	strace s2  }
0x95: {  	s2 =	sld [smem:$0x3FFD];
	_ =	sdelay $0x3  }
0x96: {  	_ =	strace s2  }
0x97: {  	_ =	strace $0x8FFFFFFF  }
0x98: {  	s18 =	sld [smem:$0x3FDB];
	_ =	sdelay $0x1  }
0x99: {  	s19 =	simm.s32 $_scs_section_size  }
0x9a: {  	s4 =	simm.s32 $_size__tile_overlayer_lowered;
	s5 =	simm.s32 $_tile_overlayer_lowered  }
0x9b: {  	s22 =	simm.s32 $0x1BFF;
	s21 =	sshll.u32 s5, $0x1;
	s2 =	sadd.s32 s19, s18  }
0x9c: {  	s6 =	simm.s32 $0x0;
	s20 =	sshll.u32 s4, $0x1;
	s4 =	sadd.s32 s21, s2  }
0x9d: {  	[timem:s6], [sflag:s22] =	dma.local [hbm:s4], s20  }
0x9e: {  	_ =	swait.ge [sflag:s22], s20  }
0x9f: {  	s3 =	ssub.s32 $0x0, s20;
	[sflag:s22] =	ssyncset.done $0x0  }
0xa0: {  	[sflag:s22] =	ssyncadd.s32 s3;
	_ =	sdelay $0x1  }
0xa1: {  	s23 =	simm.s32 $0x1B8B  }
0xa2: {  	_ =	swait.ge [sflag:s23], $0x1  }
0xa3: {  	[sflag:s23] =	ssyncset.done $0x0  }
0xa4: {  	s25 =	simm.s32 $0x1B8E;
	s24 =	sld [smem:$0x3FFE];
	[sflag:s23] =	ssyncadd.s32 $0xFFFFFFFF  }
0xa5: {  	s26 =	simm.s32 $execute0_lowered;
	[smem:$0x3FD2] =	sst s25  }
0xa6: {  	s4 =	sshll.u32 s26, $0x1;
	_ =	strace $0x80000049;
	[dreg:$0x1] =	wrdreg $0xFFFFFFFF  }
0xa7: {  	s28 =	simm.s32 $_size_execute0_lowered;
	s2 =	sadd.s32 s2, s4;
	[dreg:$0x0] =	wrdreg $0x0  }
0xa8: {  	s4 =	sshll.u32 s28, $0x1;
	[dreg:$0x2] =	wrdreg s2  }
0xa9: {  	[dreg:$0x3] =	wrdreg s4  }
0xaa: {  	[dreg:$0x4] =	wrdreg $0xC0  }
0xab: {  	_ =	task [dreg:s6], $0x5FFFF  }
0xac: {  	[dreg:$0x1] =	wrdreg $0xFFFFFFFF  }
0xad: {  	[dreg:$0x0] =	wrdreg $0x60  }
0xae: {  	[dreg:$0x2] =	wrdreg s24  }
0xaf: {  	[dreg:$0x3] =	wrdreg $0x68000  }
0xb0: {  	[dreg:$0x4] =	wrdreg $0x9  }
0xb1: {  	_ =	task.clear_ibuf [dreg:s6], $0x5FFFF;
	_ =	strace $0x90000049  }
0xb2: {  	s29 =	simm.s32 $0x9;
	_ =	strace $0x8000004B  }
0xb3: {  	_ =	swait.ge [sflag:s29], $0x1  }
0xb4: {  	[sflag:s29] =	ssyncadd.s32 $0xFFFFFFFF  }
0xb5: {  	_ =	strace $0x9000004B  }
0xb6: {  	_ =	sfence  }
0xb7: {  	s30 =	sld [smem:$0x0];
	_ =	sdelay $0x2  }
0xb8: {  	s31 =	sshll.u32 s1, $0xD;
	s1 =	sshrl.u32 s1, $0x2  }
0xb9: {  	s3 =	sand.u32 $0x4000, s31;
	s1 =	sadd.s32 s1, s30  }
0xba: {  	s0 =	sor.u32 s3, s0;
	s1 =	sshll.u32 s1, $0x11  }
0xbb: {  	s0 =	sor.u32 s1, s0  }
0xbc: {  	s0 =	sadd.s32 $0x8F2B, s0  }
0xbd: {  	[sflag:s0] =	ssyncadd.remote.s32 $0x1  }
0xbe: {  	_ =	sfence.sel $0xFFFF  }
0xbf: {  	[dreg:$0x0] =	wrdreg $0xFFFFFFFF;
	(pc) =	sbr.abs _section_cstart, $3  }
0xc0: {  	[dreg:$0x1] =	wrdreg $0xFFFFFFFF  }
0xc1: {  	_ =	task.clear_ibuf [dreg:s6], $0x2FFFF;
	_ =	strace $0x9FFFFFFF  }
0xc2: {  	(tm) =	ssettm $0x7FFFFFFF  }
0xc3: {  	_ =	shalt  }
tec
execute0_lowered:
.L_overlay_start_1:
0x0: {  	(tag) =	ssettag $0x1  }
0x1: {  	s6 =	rddreg [dreg:$0x0]  }
0x2: {  	s2 =	rddreg [dreg:$0x1]  }
0x3: {  	s1 =	srdreg.scid;
	s0 =	rddreg [dreg:$0x2]  }
0x4: {  	s3 =	simm.s32 $0x0;
	s14 =	simm.s32 $0x20;
	s15 =	simm.s32 $0x2800  }
0x5: {  	s16 =	simm.s32 $0x3800;
	s17 =	simm.s32 $0x4800;
	s18 =	simm.s32 $0x5800  }
0x6: {  	s19 =	simm.s32 $0x1;
	s20 =	simm.s32 $0x2;
	s21 =	simm.s32 $0x3  }
0x7: {  	s22 =	simm.s32 $0x4;
	s23 =	simm.s32 $0x80;
	s7 =	sand.u32 $0x1, s1  }
0x8: {  	s24 =	simm.s32 $0x0;
	s1 =	stileid.u32;
	s5 =	smul.u32 $0x140000, s7  }
0x9: {  	[smem:$0x7FF] =	sst s3;
	s4 =	sshll.u32 s7, $0x4;
	s8 =	smul.u32 $0x14000, s1  }
0xa: {  	_ =	strace $0x8000004A;
	s10 =	smul.u32 $0x50000, s1;
	s31 =	ssub.s32 $0x2, s7  }
0xb: {  	s11 =	sshll.u32 s1, $0x6;
	s4 =	sor.u32 s1, s4;
	s7 =	sshrl.u32 s31, $0x1  }
0xc: {  	s9 =	smul.u32 $0x280, s4;
	s4 =	sadd.s32 $0x5E600, s6;
	s5 =	sadd.s32 s8, s5  }
0xd: {  	s10 =	sshrl.u32 s10, $0x2;
	s12 =	ssub.s32 s31, s7;
	s30 =	sshrl.u32 s5, $0x3  }
0xe: {  	s5 =	sadd.s32 $0xBE00, s6;
	s13 =	sadd.s32 s10, s2;
	s10 =	smax.u32 s12, $0x1  }
0xf: {  	s12 =	simm.s32 $0x5;
	s29 =	sadd.s32 s9, s6;
	s9 =	sadd.s32 s30, s6  }
0x10: {  	s6 =	sor.u32 $0x1C05, s11;
	s11 =	sshrl.u32 s13, $0x3;
	s13 =	simm.s32 $0x1400  }
0x11: {  	s7 =	sadd.s32 $0x1E00, s29;
	s8 =	sadd.s32 $0x6E00, s29;
	s9 =	sadd.s32 $0x86600, s9  }
.LBB2_1:
0x12: {  	[spmem:s11], [sflag:s6] =	dma.local [hbm:s5], $0x2800  }
0x13: {  	_ =	swait.ge [sflag:s12], $0x2800  }
0x14: {  	[sflag:s12] =	ssyncset.done $0x0  }
0x15: {  	[sflag:s12] =	ssyncadd.s32 $0xFFFFD800  }
0x16: {  	[tilespmem:s3], [sflag:$0x5] =	stream.linear.gather [hbm4b:s7+s3], $0x1400, $0x38;
	[tilespmem:$0x1A800] =	vst v63  }
0x17: {  	_ =	swait.ge [sflag:s12], $0x1400  }
0x18: {  	[sflag:s12] =	ssyncset.done $0x0  }
0x19: {  	[sflag:s12] =	ssyncadd.s32 $0xFFFFEC00  }
0x1a: {  	[tilespmem:s13], [sflag:$0x5] =	stream.linear.gather [hbm4b:s8+s3], $0x1400, $0x38;
	[tilespmem:$0x1A800] =	vst v63  }
0x1b: {  	_ =	swait.ge [sflag:s12], $0x1400  }
0x1c: {  	[sflag:s12] =	ssyncset.done $0x0  }
0x1d: {  	[sflag:s12] =	ssyncadd.s32 $0xFFFFEC00  }
0x1e: {  	s25 =	simm.s32 $0x0;
	[bflag:$0x0] =	sbarrier.arrive $0xFFFF  }
0x1f: {  	[tilespmem:s15], [sflag:$0x1] =	stream.indirect.gather [hbm4b:s4+s14], $0x80, s25, s14, $0xb8;
	[tilespmem:$0x1A800] =	vst v63  }
0x20: {  	s28 =	simm.s32 $0x20  }
0x21: {  	[tilespmem:s16], [sflag:$0x2] =	stream.indirect.gather [hbm4b:s4+s14], $0x80, s28, s14, $0xb8;
	[tilespmem:$0x1A800] =	vst v63  }
0x22: {  	s29 =	simm.s32 $0x40  }
0x23: {  	[tilespmem:s17], [sflag:$0x3] =	stream.indirect.gather [hbm4b:s4+s14], $0x80, s29, s14, $0xb8;
	[tilespmem:$0x1A800] =	vst v63  }
0x24: {  	s30 =	simm.s32 $0x60  }
0x25: {  	[tilespmem:s18], [sflag:$0x4] =	stream.indirect.gather [hbm4b:s4+s14], $0x80, s30, s14, $0xb8;
	[tilespmem:$0x1A800] =	vst v63  }
0x26: {  	_ =	swait.ge [sflag:s19], $0x1000  }
0x27: {  	[sflag:s19] =	ssyncset.done $0x0  }
0x28: {  	[sflag:s19] =	ssyncadd.s32 $0xFFFFF000  }
0x29: {  	_ =	swait.ge [sflag:s20], $0x1000  }
0x2a: {  	[sflag:s20] =	ssyncset.done $0x0  }
0x2b: {  	[sflag:s20] =	ssyncadd.s32 $0xFFFFF000  }
0x2c: {  	_ =	swait.ge [sflag:s21], $0x1000  }
0x2d: {  	[sflag:s21] =	ssyncset.done $0x0  }
0x2e: {  	[sflag:s21] =	ssyncadd.s32 $0xFFFFF000  }
0x2f: {  	_ =	swait.ge [sflag:s22], $0x1000  }
0x30: {  	[sflag:s22] =	ssyncset.done $0x0  }
0x31: {  	s31 =	simm.s32 $0x1400;
	[sflag:s22] =	ssyncadd.s32 $0xFFFFF000  }
0x32: {  	[spmem:s2] =	stream.indirect.scatter.add.f32 [tilespmem:s15], [sflag:$0x5], $0x80, s31, s23, $0xb8;
	[tilespmem:$0x1A800] =	vst v63  }
0x33: {  	_ =	swait.ge [sflag:s12], $0x4000  }
0x34: {  	s26 =	simm.s32 $0x400;
	s25 =	simm.s32 $0x200;
	[sflag:s12] =	ssyncset.done $0x0  }
.LBB2_2:
0x35: {  	s28 =	sshra.s32 s25, $0x2  }
0x36: {  	[sflag:s12] =	ssyncadd.s32 $0xFFFFC000;
	s25 =	smov.u32 s26;
	s29 =	sadd.s32 $0x200, s26  }
0x37: {  	[tilespmem:s15], [sflag:$0x1] =	stream.indirect.gather [hbm4b:s4+s14], $0x80, s28, s14, $0xb8;
	[tilespmem:$0x1A800] =	vst v63  }
0x38: {  	p0 =	sne.s32 s26, $0x4E00;
	s26 =	sadd.s32 $0x20, s28  }
0x39: {  	[tilespmem:s16], [sflag:$0x2] =	stream.indirect.gather [hbm4b:s4+s14], $0x80, s26, s14, $0xb8;
	[tilespmem:$0x1A800] =	vst v63  }
0x3a: {  	s26 =	sadd.s32 $0x40, s28  }
0x3b: {  	[tilespmem:s17], [sflag:$0x3] =	stream.indirect.gather [hbm4b:s4+s14], $0x80, s26, s14, $0xb8;
	[tilespmem:$0x1A800] =	vst v63  }
0x3c: {  	s26 =	sadd.s32 $0x60, s28  }
0x3d: {  	[tilespmem:s18], [sflag:$0x4] =	stream.indirect.gather [hbm4b:s4+s14], $0x80, s26, s14, $0xb8;
	[tilespmem:$0x1A800] =	vst v63  }
0x3e: {  	_ =	swait.ge [sflag:s19], $0x1000  }
0x3f: {  	[sflag:s19] =	ssyncset.done $0x0  }
0x40: {  	[sflag:s19] =	ssyncadd.s32 $0xFFFFF000  }
0x41: {  	_ =	swait.ge [sflag:s20], $0x1000  }
0x42: {  	[sflag:s20] =	ssyncset.done $0x0  }
0x43: {  	[sflag:s20] =	ssyncadd.s32 $0xFFFFF000  }
0x44: {  	_ =	swait.ge [sflag:s21], $0x1000  }
0x45: {  	[sflag:s21] =	ssyncset.done $0x0  }
0x46: {  	[sflag:s21] =	ssyncadd.s32 $0xFFFFF000  }
0x47: {  	_ =	swait.ge [sflag:s22], $0x1000  }
.Ltmp0:
0x48: {  	[sflag:s22] =	ssyncset.done $0x0;
	(pc) =	sbr.rel @p0 .LBB2_2-.Ltmp0, $4  }
0x49: {  	s26 =	sadd.s32 $0x1400, s28;
	[sflag:s22] =	ssyncadd.s32 $0xFFFFF000  }
0x4a: {  	[spmem:s2] =	stream.indirect.scatter.add.f32 [tilespmem:s15], [sflag:$0x5], $0x80, s26, s23, $0xb8;
	[tilespmem:$0x1A800] =	vst v63  }
0x4b: {  	_ =	swait.ge [sflag:s12], $0x4000  }
0x4c: {  	s26 =	smov.u32 s29;
	[sflag:s12] =	ssyncset.done $0x0  }
0x4d: {  	s25 =	sshra.s32 s25, $0x2;
	[sflag:s12] =	ssyncadd.s32 $0xFFFFC000  }
0x4e: {  	[tilespmem:s15], [sflag:$0x1] =	stream.indirect.gather [hbm4b:s4+s14], $0x80, s25, s14, $0xb8;
	[tilespmem:$0x1A800] =	vst v63  }
0x4f: {  	s26 =	sadd.s32 $0x20, s25  }
0x50: {  	[tilespmem:s16], [sflag:$0x2] =	stream.indirect.gather [hbm4b:s4+s14], $0x80, s26, s14, $0xb8;
	[tilespmem:$0x1A800] =	vst v63  }
0x51: {  	s30 =	sadd.s32 $0x40, s25  }
0x52: {  	[tilespmem:s17], [sflag:$0x3] =	stream.indirect.gather [hbm4b:s4+s14], $0x80, s30, s14, $0xb8;
	[tilespmem:$0x1A800] =	vst v63  }
0x53: {  	s31 =	sadd.s32 $0x60, s25  }
0x54: {  	[tilespmem:s18], [sflag:$0x4] =	stream.indirect.gather [hbm4b:s4+s14], $0x80, s31, s14, $0xb8;
	[tilespmem:$0x1A800] =	vst v63  }
0x55: {  	_ =	swait.ge [sflag:s19], $0x1000  }
0x56: {  	[sflag:s19] =	ssyncset.done $0x0  }
0x57: {  	[sflag:s19] =	ssyncadd.s32 $0xFFFFF000  }
0x58: {  	_ =	swait.ge [sflag:s20], $0x1000  }
0x59: {  	[sflag:s20] =	ssyncset.done $0x0  }
0x5a: {  	[sflag:s20] =	ssyncadd.s32 $0xFFFFF000  }
0x5b: {  	_ =	swait.ge [sflag:s21], $0x1000  }
0x5c: {  	[sflag:s21] =	ssyncset.done $0x0  }
0x5d: {  	[sflag:s21] =	ssyncadd.s32 $0xFFFFF000  }
0x5e: {  	_ =	swait.ge [sflag:s22], $0x1000  }
0x5f: {  	[sflag:s22] =	ssyncset.done $0x0  }
0x60: {  	s25 =	sadd.s32 $0x1400, s25;
	[sflag:s22] =	ssyncadd.s32 $0xFFFFF000  }
0x61: {  	[spmem:s2] =	stream.indirect.scatter.add.f32 [tilespmem:s15], [sflag:$0x5], $0x80, s25, s23, $0xb8;
	[tilespmem:$0x1A800] =	vst v63  }
0x62: {  	_ =	swait.ge [sflag:s12], $0x4000  }
0x63: {  	s24 =	sadd.s32 $0x1, s24;
	[sflag:s12] =	ssyncset.done $0x0  }
0x64: {  	p0 =	sne.s32 s24, s10;
	[sflag:s12] =	ssyncadd.s32 $0xFFFFC000  }
.Ltmp1:
0x65: {  	[bflag:$0x0] =	sbarrier.arrive $0xFFFF;
	(pc) =	sbr.rel @p0 .LBB2_1-.Ltmp1, $4  }
0x66: {  	[hbm:s9], [sflag:s6] =	dma.local [spmem:s11], $0x2800  }
0x67: {  	_ =	swait.ge [sflag:s12], $0x2800  }
0x68: {  	[sflag:s12] =	ssyncset.done $0x0  }
0x69: {  	[sflag:s12] =	ssyncadd.s32 $0xFFFFD800  }
0x6a: {  	_ =	sfence.sel $0x180000  }
0x6b: {  	[bflag:$0x0] =	sbarrier.arrive $0xFFFF  }
0x6c: {  	p0 =	sne.s32 s1, $0x0;
	_ =	strace $0x9000004A  }
0x6d: {  	s0 =	sadd.s32 @!p0 $0x100000, s0;
	[bflag:$0x2] =	sbarrier.arrive $0xFFFF  }
0x6e: {  	[sflag:s0] =	ssyncadd.tile.s32 @!p0 $0x1;
	_ =	shalt  }
.Lfunc_end2:
_tile_overlayer_lowered:
.L_overlay_start_2:
0x6f: {  	(tag) =	ssettag $0x2  }
0x70: {  	s0 =	rddreg [dreg:$0x0];
	s2 =	stileid.u32  }
0x71: {  	s1 =	rddreg [dreg:$0x1];
	p0 =	sne.s32 s2, $0x0  }
0x72: {  	s3 =	rddreg [dreg:$0x2];
	[bflag:$0x3] =	sbarrier.arrive $0xFFFF;
	s2 =	simm.s32 @!p0 $0x1C05  }
0x73: {  	[timem:s3], [sflag:s2] =	dma.local @!p0 [hbm:s0], s1  }
0x74: {  	s0 =	simm.s32 @!p0 $0x5  }
0x75: {  	_ =	swait.ge @!p0 [sflag:s0], s1  }
0x76: {  	s1 =	ssub.s32 @!p0 $0x0, s1;
	[sflag:s0] =	ssyncset.done @!p0 $0x0  }
0x77: {  	[sflag:s0] =	ssyncadd.s32 @!p0 s1  }
0x78: {  	[bflag:$0x3] =	sbarrier.arrive $0xFFFF  }
0x79: {  	_ =	shalt  }

// kernel: kernel.7.cloned.1.call-start
scs
__scs_entry_jumppad:
0x0: {  	(pc) =	sbr.rel $0x88, $3  }
0x1: {  	(tag) =	ssettag $0x0;
	lr =	simm.s32 $0x1  }
0x2: {  	[smem:$0x3F9B] =	sst lr;
	_ =	strace $0xD0000000  }
0x3: {  	_ = 	snop  }
0x4: {  	_ = 	snop  }
0x5: {  	_ = 	snop  }
0x6: {  	_ = 	snop  }
0x7: {  	_ = 	snop  }
__scs_overlays_trampoline_lowered:
0x8: {  	[smem:$0x3FAA] =	sst s0  }
0x9: {  	[smem:$0x3FAB] =	sst s1  }
0xa: {  	[smem:$0x3FAC] =	sst s2  }
0xb: {  	[smem:$0x3FAD] =	sst s3  }
0xc: {  	[smem:$0x3FAE] =	sst s4  }
0xd: {  	[smem:$0x3FAF] =	sst s5  }
0xe: {  	[smem:$0x3FB0] =	sst s6  }
0xf: {  	[smem:$0x3FB1] =	sst s7  }
0x10: {  	[smem:$0x3FB2] =	sst s8  }
0x11: {  	[smem:$0x3FB3] =	sst s9;
	s0 =	simm.s32 @!p0 $0x0  }
0x12: {  	s1 =	sld [smem:$0x3F99];
	s0 =	simm.s32 @p0 $0x1  }
0x13: {  	[smem:$0x3FB4] =	sst s0;
	s0 =	simm.s32 @!p1 $0x0  }
0x14: {  	s2 =	sld [smem:$0x3F98];
	s0 =	simm.s32 @p1 $0x1  }
0x15: {  	[smem:$0x3FB5] =	sst s0;
	s0 =	simm.s32 @!p2 $0x0  }
0x16: {  	s3 =	sld [smem:$0x3FDB];
	s0 =	simm.s32 @p2 $0x1  }
0x17: {  	s4 =	simm.s32 $0x1BF5;
	[smem:$0x3FB7] =	sst s0  }
0x18: {  	s0 =	sld [smem:$0x3F9A];
	_ =	swait.ge [sflag:s4], $0x0  }
0x19: {  	s7 =	sld [smem:$0x3F9B]  }
0x1a: {  	s8 =	sadd.s32 $0xFFFFE003, lr  }
0x1b: {  	s9 =	sadd.s32 $0xFFFFFEF7, lr;
	s5 =	simm.s32 $0xFFFFFFFF;
	p2 =	slt.u32 s8, $0xFFFFF086  }
0x1c: {  	p1 =	slt.u32 s9, $0xF7A;
	s5 =	simm.s32 @!p2 $0x0  }
0x1d: {  	s5 =	simm.s32 @p1 $0x1;
	p0 =	seq.s32 s7, s2  }
0x1e: {  	s7 =	smul.u32 @!p0 $0xF7A, s2;
	p2 =	seq.s32 @!p0 s5, $0x0  }
0x1f: {  	s9 =	smul.u32 $0xF7A, s1;
	s8 =	simm.s32 @!p0 $0x1BF5;
	p2 =	por !p2, p0  }
0x20: {  	[sflag:s8] =	ssyncset.s32 @!p0 $0xFFFFF086;
	s6 =	sadd.s32 @!p0 s3, s7;
	s7 =	simm.s32 @!p0 $0x108  }
0x21: {  	s3 =	sadd.s32 s3, s9;
	s6 =	sadd.s32 @!p0 $0x88, s6;
	s7 =	simm.s32 @p2 $0x1082  }
0x22: {  	[simem:s7], [sflag:s8] =	dma.local @!p0 [hbm:s6], $0xF7A  }
0x23: {  	s9 =	sor.u32 $0xD0000000, s2;
	s6 =	simm.s32 $0x108;
	_ =	swait.ge @!p0 [sflag:s8], $0x0  }
0x24: {  	s3 =	sadd.s32 $0x88, s3;
	s6 =	simm.s32 @!p1 $0x1082;
	[sflag:s4] =	ssyncset.s32 $0xFFFFF086  }
0x25: {  	[simem:s6], [sflag:s4] =	dma.local [hbm:s3], $0xF7A  }
0x26: {  	[smem:$0x3F9B] =	sst s1;
	(tag) =	ssettag s2;
	_ =	strace s9  }
0x27: {  	s1 =	sld [smem:$0x3FAB]  }
0x28: {  	s2 =	sld [smem:$0x3FAC]  }
0x29: {  	s4 =	sld [smem:$0x3FAE]  }
0x2a: {  	p0 =	seq.s32 s5, $0x0;
	s5 =	sld [smem:$0x3FAF]  }
0x2b: {  	s6 =	sld [smem:$0x3FB0]  }
0x2c: {  	s7 =	sld [smem:$0x3FB1]  }
0x2d: {  	s3 =	simm.s32 $0x108;
	s8 =	sld [smem:$0x3FB2]  }
0x2e: {  	s3 =	simm.s32 @!p0 $0x1082;
	s9 =	sld [smem:$0x3FB3]  }
0x2f: {  	lr =	sadd.s32 s0, s3;
	s0 =	sld [smem:$0x3FAA]  }
0x30: {  	s3 =	sld [smem:$0x3FAD]  }
0x31: {  	[smem:$0x3FB6] =	sst s10  }
0x32: {  	s10 =	sld [smem:$0x3FB4];
	_ =	sdelay $0x3  }
0x33: {  	p0 =	seq.s32 s10, $0x1;
	s10 =	sld [smem:$0x3FB6];
	_ =	sdelay $0x3  }
0x34: {  	[smem:$0x3FB6] =	sst s10  }
0x35: {  	s10 =	sld [smem:$0x3FB5];
	_ =	sdelay $0x3  }
0x36: {  	p1 =	seq.s32 s10, $0x1;
	s10 =	sld [smem:$0x3FB6];
	_ =	sdelay $0x3  }
0x37: {  	[smem:$0x3FB6] =	sst s10  }
0x38: {  	s10 =	sld [smem:$0x3FB7]  }
0x39: {  	_ = 	snop;
	(pc) =	sbr.ind lr, $3  }
0x3a: {  	_ = 	snop  }
0x3b: {  	_ = 	snop  }
0x3c: {  	p2 =	seq.s32 s10, $0x1;
	s10 =	sld [smem:$0x3FB6]  }
0x3d: {  	_ =	shalt  }
0x3e: {  	_ =	shalt  }
0x3f: {  	_ =	shalt  }
0x40: {  	_ =	shalt  }
0x41: {  	_ =	shalt  }
0x42: {  	_ =	shalt  }
0x43: {  	_ =	shalt  }
0x44: {  	_ =	shalt  }
0x45: {  	_ =	shalt  }
0x46: {  	_ =	shalt  }
0x47: {  	_ =	shalt  }
0x48: {  	_ =	shalt  }
0x49: {  	_ =	shalt  }
0x4a: {  	_ =	shalt  }
0x4b: {  	_ =	shalt  }
0x4c: {  	_ =	shalt  }
0x4d: {  	_ =	shalt  }
0x4e: {  	_ =	shalt  }
0x4f: {  	_ =	shalt  }
0x50: {  	_ =	shalt  }
0x51: {  	_ =	shalt  }
0x52: {  	_ =	shalt  }
0x53: {  	_ =	shalt  }
0x54: {  	_ =	shalt  }
0x55: {  	_ =	shalt  }
0x56: {  	_ =	shalt  }
0x57: {  	_ =	shalt  }
0x58: {  	_ =	shalt  }
0x59: {  	_ =	shalt  }
0x5a: {  	_ =	shalt  }
0x5b: {  	_ =	shalt  }
0x5c: {  	_ =	shalt  }
0x5d: {  	_ =	shalt  }
0x5e: {  	_ =	shalt  }
0x5f: {  	_ =	shalt  }
0x60: {  	_ =	shalt  }
0x61: {  	_ =	shalt  }
0x62: {  	_ =	shalt  }
0x63: {  	_ =	shalt  }
0x64: {  	_ =	shalt  }
0x65: {  	_ =	shalt  }
0x66: {  	_ =	shalt  }
0x67: {  	_ =	shalt  }
0x68: {  	_ =	shalt  }
0x69: {  	_ =	shalt  }
0x6a: {  	_ =	shalt  }
0x6b: {  	_ =	shalt  }
0x6c: {  	_ =	shalt  }
0x6d: {  	_ =	shalt  }
0x6e: {  	_ =	shalt  }
0x6f: {  	_ =	shalt  }
0x70: {  	_ =	shalt  }
0x71: {  	_ =	shalt  }
0x72: {  	_ =	shalt  }
0x73: {  	_ =	shalt  }
0x74: {  	_ =	shalt  }
0x75: {  	_ =	shalt  }
0x76: {  	_ =	shalt  }
0x77: {  	_ =	shalt  }
0x78: {  	_ =	shalt  }
0x79: {  	_ =	shalt  }
0x7a: {  	_ =	shalt  }
0x7b: {  	_ =	shalt  }
0x7c: {  	_ =	shalt  }
0x7d: {  	_ =	shalt  }
0x7e: {  	_ =	shalt  }
0x7f: {  	_ =	shalt  }
0x80: {  	_ =	shalt  }
0x81: {  	_ =	shalt  }
0x82: {  	_ =	shalt  }
0x83: {  	_ =	shalt  }
0x84: {  	_ =	shalt  }
0x85: {  	_ =	shalt  }
0x86: {  	_ =	shalt  }
0x87: {  	_ =	shalt  }
.Lfunc_end0:
.L_simem_size_0:
called_computation_lowered:
.L_overlay_start_0:
0x88: {  	s2 =	sld [smem:$0x3FD9]  }
0x89: {  	s3 =	sld [smem:$0x3FFE];
	_ =	sdelay $0x1  }
0x8a: {  	s1 =	srdreg.scid  }
0x8b: {  	s0 =	sand.u32 $0x1, s1  }
0x8c: {  	s17 =	sshll.u32 s0, $0xA;
	s2 =	sadd.s32 s3, s2  }
0x8d: {  	s2 =	sadd.s32 s2, s17  }
0x8e: {  	[smem:$0x3FC2] =	sst s2  }
0x8f: {  	_ = 	snop  }
0x90: {  	s2 =	sld [smem:$0x3FD0];
	(tm) =	ssettm $0x1  }
0x91: {  	s18 =	sld [smem:$0x3FFB];
	_ =	sdelay $0x3  }
0x92: {  	_ =	strace s18  }
0x93: {  	s3 =	sld [smem:$0x3FFC];
	_ =	sdelay $0x3  }
0x94: {  	_ =	strace s3  }
0x95: {  	s3 =	sld [smem:$0x3FFD];
	_ =	sdelay $0x3  }
0x96: {  	_ =	strace s3  }
0x97: {  	_ =	strace $0x8FFFFFFF  }
0x98: {  	s19 =	sld [smem:$0x3FDB];
	_ =	sdelay $0x1  }
0x99: {  	s4 =	simm.s32 $_scs_section_size  }
0x9a: {  	s5 =	simm.s32 $_size__tile_overlayer_lowered;
	s6 =	simm.s32 $_tile_overlayer_lowered  }
0x9b: {  	s22 =	simm.s32 $0x1BFF;
	s21 =	sshll.u32 s6, $0x1;
	s3 =	sadd.s32 s4, s19  }
0x9c: {  	s7 =	simm.s32 $0x0;
	s20 =	sshll.u32 s5, $0x1;
	s5 =	sadd.s32 s21, s3  }
0x9d: {  	[timem:s7], [sflag:s22] =	dma.local [hbm:s5], s20  }
0x9e: {  	_ =	swait.ge [sflag:s22], s20  }
0x9f: {  	s4 =	ssub.s32 $0x0, s20;
	[sflag:s22] =	ssyncset.done $0x0  }
0xa0: {  	[sflag:s22] =	ssyncadd.s32 s4;
	_ =	sdelay $0x1  }
0xa1: {  	s23 =	simm.s32 $0x1B8B  }
0xa2: {  	_ =	swait.ge [sflag:s23], $0x1  }
0xa3: {  	[sflag:s23] =	ssyncset.done $0x0  }
0xa4: {  	s25 =	simm.s32 $0x1B8E;
	s24 =	sld [smem:$0x3FFE];
	[sflag:s23] =	ssyncadd.s32 $0xFFFFFFFF  }
0xa5: {  	s26 =	simm.s32 $execute0_lowered;
	[smem:$0x3FD2] =	sst s25  }
0xa6: {  	s5 =	sshll.u32 s26, $0x1;
	_ =	strace $0x80000046;
	[dreg:$0x1] =	wrdreg $0xFFFFFFFF  }
0xa7: {  	s28 =	simm.s32 $_size_execute0_lowered;
	s3 =	sadd.s32 s3, s5;
	[dreg:$0x0] =	wrdreg $0x0  }
0xa8: {  	s5 =	sshll.u32 s28, $0x1;
	[dreg:$0x2] =	wrdreg s3  }
0xa9: {  	[dreg:$0x3] =	wrdreg s5  }
0xaa: {  	[dreg:$0x4] =	wrdreg $0xC0  }
0xab: {  	_ =	task [dreg:s7], $0x5FFFF  }
0xac: {  	[dreg:$0x1] =	wrdreg $0xFFFFFFFF  }
0xad: {  	[dreg:$0x0] =	wrdreg $0x60  }
0xae: {  	[dreg:$0x2] =	wrdreg s24  }
0xaf: {  	[dreg:$0x3] =	wrdreg s2  }
0xb0: {  	[dreg:$0x4] =	wrdreg $0x54000  }
0xb1: {  	[dreg:$0x5] =	wrdreg $0x9  }
0xb2: {  	_ =	task.clear_ibuf [dreg:s7], $0x6FFFF;
	_ =	strace $0x90000046  }
0xb3: {  	s29 =	simm.s32 $0x9;
	_ =	strace $0x80000048  }
0xb4: {  	_ =	swait.ge [sflag:s29], $0x1  }
0xb5: {  	[sflag:s29] =	ssyncadd.s32 $0xFFFFFFFF  }
0xb6: {  	_ =	strace $0x90000048  }
0xb7: {  	_ =	sfence  }
0xb8: {  	s30 =	sld [smem:$0x0];
	_ =	sdelay $0x2  }
0xb9: {  	s31 =	sshll.u32 s1, $0xD;
	s1 =	sshrl.u32 s1, $0x2  }
0xba: {  	s3 =	sand.u32 $0x4000, s31;
	s1 =	sadd.s32 s1, s30  }
0xbb: {  	s0 =	sor.u32 s3, s0;
	s1 =	sshll.u32 s1, $0x11  }
0xbc: {  	s0 =	sor.u32 s1, s0  }
0xbd: {  	s0 =	sadd.s32 $0x8F2B, s0  }
0xbe: {  	[sflag:s0] =	ssyncadd.remote.s32 $0x1  }
0xbf: {  	_ =	sfence.sel $0xFFFF  }
0xc0: {  	[dreg:$0x0] =	wrdreg $0xFFFFFFFF;
	(pc) =	sbr.abs _section_cstart, $3  }
0xc1: {  	[dreg:$0x1] =	wrdreg $0xFFFFFFFF  }
0xc2: {  	_ =	task.clear_ibuf [dreg:s7], $0x2FFFF;
	_ =	strace $0x9FFFFFFF  }
0xc3: {  	(tm) =	ssettm $0x7FFFFFFF  }
tec
execute0_lowered:
.L_overlay_start_1:
0x0: {  	(tag) =	ssettag $0x1  }
0x1: {  	s0 =	srdreg.scid;
	s1 =	rddreg [dreg:$0x0]  }
0x2: {  	s8 =	stileid.u32;
	s3 =	rddreg [dreg:$0x2]  }
0x3: {  	s4 =	simm.s32 $0x0;
	s11 =	simm.s32 $0x2;
	s12 =	simm.s32 $0x1400  }
0x4: {  	s13 =	simm.s32 $0x80;
	s15 =	simm.s32 $0xB80;
	s16 =	simm.s32 $0xC00  }
0x5: {  	s17 =	simm.s32 $0xC80;
	s18 =	simm.s32 $0xD00;
	s19 =	simm.s32 $0xD80  }
0x6: {  	s20 =	simm.s32 $0xE00;
	s21 =	simm.s32 $0xE80;
	s22 =	simm.s32 $0xF00  }
0x7: {  	s23 =	simm.s32 $0xF80;
	s24 =	simm.s32 $0x1000;
	s28 =	simm.s32 $0x1180  }
0x8: {  	s29 =	simm.s32 $0x1200;
	s30 =	simm.s32 $0x1280;
	s31 =	simm.s32 $0x1300  }
0x9: {  	s0 =	sand.u32 $0x1, s0;
	[smem:$0x7FF] =	sst s4;
	s6 =	smul.u32 $0x14000, s8  }
0xa: {  	s7 =	smul.u32 $0x50000, s8;
	s26 =	sshll.u32 s8, $0x6;
	s2 =	sshll.u32 s0, $0x4  }
0xb: {  	s5 =	smul.u32 $0x140000, s0;
	_ =	strace $0x80000047;
	s0 =	ssub.s32 $0x2, s0  }
0xc: {  	s2 =	sor.u32 s8, s2;
	s25 =	sshrl.u32 s0, $0x1;
	s7 =	sshrl.u32 s7, $0x2  }
0xd: {  	s2 =	smul.u32 $0x280, s2;
	s6 =	sadd.s32 s6, s5;
	s5 =	sadd.s32 $0xBE00, s1  }
0xe: {  	s0 =	ssub.s32 s0, s25;
	s10 =	sadd.s32 s7, s3;
	s25 =	simm.s32 $0x1080  }
0xf: {  	s6 =	sshrl.u32 s6, $0x3;
	s9 =	smax.u32 s0, $0x1;
	s10 =	sshrl.u32 s10, $0x3  }
0x10: {  	s0 =	simm.s32 $0x1;
	s2 =	sadd.s32 s2, s1;
	s1 =	sadd.s32 s6, s1  }
0x11: {  	s6 =	sor.u32 $0x1C02, s26;
	s26 =	simm.s32 $0x1100;
	s7 =	sadd.s32 $0x6E00, s2  }
0x12: {  	s8 =	sadd.s32 $0xE600, s1;
	s1 =	simm.s32 $0x1380;
	s2 =	simm.s32 $0x0  }
.LBB2_1:
0x13: {  	[spmem:s10], [sflag:s6] =	dma.local [hbm:s5], $0x2800  }
0x14: {  	_ =	swait.ge [sflag:s11], $0x2800  }
0x15: {  	[sflag:s11] =	ssyncset.done $0x0  }
0x16: {  	[sflag:s11] =	ssyncadd.s32 $0xFFFFD800  }
0x17: {  	s14 =	rddreg [dreg:$0x1]  }
0x18: {  	[tilespmem:s12], [sflag:$0x2] =	stream.linear.gather [hbm4b:s14+s4], $0x4000, $0x38;
	[tilespmem:$0x19400] =	vst v63  }
0x19: {  	_ =	swait.ge [sflag:s11], $0x4000  }
0x1a: {  	[sflag:s11] =	ssyncset.done $0x0  }
0x1b: {  	[sflag:s11] =	ssyncadd.s32 $0xFFFFC000  }
0x1c: {  	[tilespmem:s4], [sflag:$0x2] =	stream.linear.gather [hbm4b:s7+s4], $0x1400, $0x38;
	[tilespmem:$0x19400] =	vst v63  }
0x1d: {  	_ =	swait.ge [sflag:s11], $0x1400  }
0x1e: {  	[sflag:s11] =	ssyncset.done $0x0  }
0x1f: {  	[sflag:s11] =	ssyncadd.s32 $0xFFFFEC00  }
0x20: {  	[bflag:$0x0] =	sbarrier.arrive $0xFFFF  }
0x21: {  	[spmem:s3] =	stream.indirect.scatter.add.f32 [tilespmem:s12], [sflag:$0x1], $0x80, s4, s13, $0xb8;
	[tilespmem:$0x19400] =	vst v63  }
0x22: {  	_ = 	snop  }
0x23: {  	[spmem:s3] =	stream.indirect.scatter.add.f32 [tilespmem:s12], [sflag:$0x1], $0x80, s13, s13, $0xb8;
	[tilespmem:$0x19400] =	vst v63  }
0x24: {  	s14 =	simm.s32 $0x100  }
0x25: {  	[spmem:s3] =	stream.indirect.scatter.add.f32 [tilespmem:s12], [sflag:$0x1], $0x80, s14, s13, $0xb8;
	[tilespmem:$0x19400] =	vst v63  }
0x26: {  	s14 =	simm.s32 $0x180  }
0x27: {  	[spmem:s3] =	stream.indirect.scatter.add.f32 [tilespmem:s12], [sflag:$0x1], $0x80, s14, s13, $0xb8;
	[tilespmem:$0x19400] =	vst v63  }
0x28: {  	s14 =	simm.s32 $0x200  }
0x29: {  	[spmem:s3] =	stream.indirect.scatter.add.f32 [tilespmem:s12], [sflag:$0x1], $0x80, s14, s13, $0xb8;
	[tilespmem:$0x19400] =	vst v63  }
0x2a: {  	s14 =	simm.s32 $0x280  }
0x2b: {  	[spmem:s3] =	stream.indirect.scatter.add.f32 [tilespmem:s12], [sflag:$0x1], $0x80, s14, s13, $0xb8;
	[tilespmem:$0x19400] =	vst v63  }
0x2c: {  	s14 =	simm.s32 $0x300  }
0x2d: {  	[spmem:s3] =	stream.indirect.scatter.add.f32 [tilespmem:s12], [sflag:$0x1], $0x80, s14, s13, $0xb8;
	[tilespmem:$0x19400] =	vst v63  }
0x2e: {  	s14 =	simm.s32 $0x380  }
0x2f: {  	[spmem:s3] =	stream.indirect.scatter.add.f32 [tilespmem:s12], [sflag:$0x1], $0x80, s14, s13, $0xb8;
	[tilespmem:$0x19400] =	vst v63  }
0x30: {  	s14 =	simm.s32 $0x400  }
0x31: {  	[spmem:s3] =	stream.indirect.scatter.add.f32 [tilespmem:s12], [sflag:$0x1], $0x80, s14, s13, $0xb8;
	[tilespmem:$0x19400] =	vst v63  }
0x32: {  	s14 =	simm.s32 $0x480  }
0x33: {  	[spmem:s3] =	stream.indirect.scatter.add.f32 [tilespmem:s12], [sflag:$0x1], $0x80, s14, s13, $0xb8;
	[tilespmem:$0x19400] =	vst v63  }
0x34: {  	s14 =	simm.s32 $0x500  }
0x35: {  	[spmem:s3] =	stream.indirect.scatter.add.f32 [tilespmem:s12], [sflag:$0x1], $0x80, s14, s13, $0xb8;
	[tilespmem:$0x19400] =	vst v63  }
0x36: {  	s14 =	simm.s32 $0x580  }
0x37: {  	[spmem:s3] =	stream.indirect.scatter.add.f32 [tilespmem:s12], [sflag:$0x1], $0x80, s14, s13, $0xb8;
	[tilespmem:$0x19400] =	vst v63  }
0x38: {  	s14 =	simm.s32 $0x600  }
0x39: {  	[spmem:s3] =	stream.indirect.scatter.add.f32 [tilespmem:s12], [sflag:$0x1], $0x80, s14, s13, $0xb8;
	[tilespmem:$0x19400] =	vst v63  }
0x3a: {  	s14 =	simm.s32 $0x680  }
0x3b: {  	[spmem:s3] =	stream.indirect.scatter.add.f32 [tilespmem:s12], [sflag:$0x1], $0x80, s14, s13, $0xb8;
	[tilespmem:$0x19400] =	vst v63  }
0x3c: {  	s14 =	simm.s32 $0x700  }
0x3d: {  	[spmem:s3] =	stream.indirect.scatter.add.f32 [tilespmem:s12], [sflag:$0x1], $0x80, s14, s13, $0xb8;
	[tilespmem:$0x19400] =	vst v63  }
0x3e: {  	s14 =	simm.s32 $0x780  }
0x3f: {  	[spmem:s3] =	stream.indirect.scatter.add.f32 [tilespmem:s12], [sflag:$0x1], $0x80, s14, s13, $0xb8;
	[tilespmem:$0x19400] =	vst v63  }
0x40: {  	s14 =	simm.s32 $0x800  }
0x41: {  	[spmem:s3] =	stream.indirect.scatter.add.f32 [tilespmem:s12], [sflag:$0x1], $0x80, s14, s13, $0xb8;
	[tilespmem:$0x19400] =	vst v63  }
0x42: {  	s14 =	simm.s32 $0x880  }
0x43: {  	[spmem:s3] =	stream.indirect.scatter.add.f32 [tilespmem:s12], [sflag:$0x1], $0x80, s14, s13, $0xb8;
	[tilespmem:$0x19400] =	vst v63  }
0x44: {  	s14 =	simm.s32 $0x900  }
0x45: {  	[spmem:s3] =	stream.indirect.scatter.add.f32 [tilespmem:s12], [sflag:$0x1], $0x80, s14, s13, $0xb8;
	[tilespmem:$0x19400] =	vst v63  }
0x46: {  	s14 =	simm.s32 $0x980  }
0x47: {  	[spmem:s3] =	stream.indirect.scatter.add.f32 [tilespmem:s12], [sflag:$0x1], $0x80, s14, s13, $0xb8;
	[tilespmem:$0x19400] =	vst v63  }
0x48: {  	s14 =	simm.s32 $0xA00  }
0x49: {  	[spmem:s3] =	stream.indirect.scatter.add.f32 [tilespmem:s12], [sflag:$0x1], $0x80, s14, s13, $0xb8;
	[tilespmem:$0x19400] =	vst v63  }
0x4a: {  	s14 =	simm.s32 $0xA80  }
0x4b: {  	[spmem:s3] =	stream.indirect.scatter.add.f32 [tilespmem:s12], [sflag:$0x1], $0x80, s14, s13, $0xb8;
	[tilespmem:$0x19400] =	vst v63  }
0x4c: {  	s14 =	simm.s32 $0xB00  }
0x4d: {  	[spmem:s3] =	stream.indirect.scatter.add.f32 [tilespmem:s12], [sflag:$0x1], $0x80, s14, s13, $0xb8;
	[tilespmem:$0x19400] =	vst v63  }
0x4e: {  	_ = 	snop  }
0x4f: {  	[spmem:s3] =	stream.indirect.scatter.add.f32 [tilespmem:s12], [sflag:$0x1], $0x80, s15, s13, $0xb8;
	[tilespmem:$0x19400] =	vst v63  }
0x50: {  	_ = 	snop  }
0x51: {  	[spmem:s3] =	stream.indirect.scatter.add.f32 [tilespmem:s12], [sflag:$0x1], $0x80, s16, s13, $0xb8;
	[tilespmem:$0x19400] =	vst v63  }
0x52: {  	_ = 	snop  }
0x53: {  	[spmem:s3] =	stream.indirect.scatter.add.f32 [tilespmem:s12], [sflag:$0x1], $0x80, s17, s13, $0xb8;
	[tilespmem:$0x19400] =	vst v63  }
0x54: {  	_ = 	snop  }
0x55: {  	[spmem:s3] =	stream.indirect.scatter.add.f32 [tilespmem:s12], [sflag:$0x1], $0x80, s18, s13, $0xb8;
	[tilespmem:$0x19400] =	vst v63  }
0x56: {  	_ = 	snop  }
0x57: {  	[spmem:s3] =	stream.indirect.scatter.add.f32 [tilespmem:s12], [sflag:$0x1], $0x80, s19, s13, $0xb8;
	[tilespmem:$0x19400] =	vst v63  }
0x58: {  	_ = 	snop  }
0x59: {  	[spmem:s3] =	stream.indirect.scatter.add.f32 [tilespmem:s12], [sflag:$0x1], $0x80, s20, s13, $0xb8;
	[tilespmem:$0x19400] =	vst v63  }
0x5a: {  	_ = 	snop  }
0x5b: {  	[spmem:s3] =	stream.indirect.scatter.add.f32 [tilespmem:s12], [sflag:$0x1], $0x80, s21, s13, $0xb8;
	[tilespmem:$0x19400] =	vst v63  }
0x5c: {  	_ = 	snop  }
0x5d: {  	[spmem:s3] =	stream.indirect.scatter.add.f32 [tilespmem:s12], [sflag:$0x1], $0x80, s22, s13, $0xb8;
	[tilespmem:$0x19400] =	vst v63  }
0x5e: {  	_ = 	snop  }
0x5f: {  	[spmem:s3] =	stream.indirect.scatter.add.f32 [tilespmem:s12], [sflag:$0x1], $0x80, s23, s13, $0xb8;
	[tilespmem:$0x19400] =	vst v63  }
0x60: {  	_ = 	snop  }
0x61: {  	[spmem:s3] =	stream.indirect.scatter.add.f32 [tilespmem:s12], [sflag:$0x1], $0x80, s24, s13, $0xb8;
	[tilespmem:$0x19400] =	vst v63  }
0x62: {  	_ = 	snop  }
0x63: {  	[spmem:s3] =	stream.indirect.scatter.add.f32 [tilespmem:s12], [sflag:$0x1], $0x80, s25, s13, $0xb8;
	[tilespmem:$0x19400] =	vst v63  }
0x64: {  	_ = 	snop  }
0x65: {  	[spmem:s3] =	stream.indirect.scatter.add.f32 [tilespmem:s12], [sflag:$0x1], $0x80, s26, s13, $0xb8;
	[tilespmem:$0x19400] =	vst v63  }
0x66: {  	_ = 	snop  }
0x67: {  	[spmem:s3] =	stream.indirect.scatter.add.f32 [tilespmem:s12], [sflag:$0x1], $0x80, s28, s13, $0xb8;
	[tilespmem:$0x19400] =	vst v63  }
0x68: {  	_ = 	snop  }
0x69: {  	[spmem:s3] =	stream.indirect.scatter.add.f32 [tilespmem:s12], [sflag:$0x1], $0x80, s29, s13, $0xb8;
	[tilespmem:$0x19400] =	vst v63  }
0x6a: {  	_ = 	snop  }
0x6b: {  	[spmem:s3] =	stream.indirect.scatter.add.f32 [tilespmem:s12], [sflag:$0x1], $0x80, s30, s13, $0xb8;
	[tilespmem:$0x19400] =	vst v63  }
0x6c: {  	_ = 	snop  }
0x6d: {  	[spmem:s3] =	stream.indirect.scatter.add.f32 [tilespmem:s12], [sflag:$0x1], $0x80, s31, s13, $0xb8;
	[tilespmem:$0x19400] =	vst v63  }
0x6e: {  	_ = 	snop  }
0x6f: {  	[spmem:s3] =	stream.indirect.scatter.add.f32 [tilespmem:s12], [sflag:$0x1], $0x80, s1, s13, $0xb8;
	[tilespmem:$0x19400] =	vst v63  }
0x70: {  	_ =	swait.ge [sflag:s0], $0x4000  }
0x71: {  	s14 =	simm.s32 $0x27;
	[sflag:s0] =	ssyncset.done $0x0  }
.LBB2_2:
0x72: {  	p0 =	sne.s32 s14, $0x1;
	s14 =	sadd.s32 $0xFFFFFFFF, s14;
	[sflag:s0] =	ssyncadd.s32 $0xFFFFC000  }
.Ltmp0:
0x73: {  	(pc) =	sbr.rel @p0 .LBB2_2-.Ltmp0, $3  }
0x74: {  	_ =	sdelay $0x1  }
0x75: {  	_ =	swait.ge [sflag:s0], $0x4000  }
0x76: {  	[sflag:s0] =	ssyncset.done $0x0  }
0x77: {  	s2 =	sadd.s32 $0x1, s2  }
0x78: {  	[sflag:s0] =	ssyncadd.s32 $0xFFFFC000;
	p0 =	sne.s32 s2, s9  }
.Ltmp1:
0x79: {  	[bflag:$0x0] =	sbarrier.arrive $0xFFFF;
	(pc) =	sbr.rel @p0 .LBB2_1-.Ltmp1, $4  }
0x7a: {  	[hbm:s8], [sflag:s6] =	dma.local [spmem:s10], $0x2800  }
0x7b: {  	_ =	swait.ge [sflag:s11], $0x2800  }
0x7c: {  	[sflag:s11] =	ssyncset.done $0x0  }
0x7d: {  	[sflag:s11] =	ssyncadd.s32 $0xFFFFD800  }
0x7e: {  	_ =	sfence.sel $0x180000  }
0x7f: {  	[bflag:$0x0] =	sbarrier.arrive $0xFFFF  }
0x80: {  	_ =	strace $0x90000047  }
0x81: {  	s0 =	stileid.u32;
	[bflag:$0x2] =	sbarrier.arrive $0xFFFF  }
0x82: {  	p0 =	sne.s32 s0, $0x0;
	s0 =	rddreg [dreg:$0x3]  }
0x83: {  	s0 =	sadd.s32 @!p0 $0x100000, s0  }
0x84: {  	[sflag:s0] =	ssyncadd.tile.s32 @!p0 $0x1;
	_ =	shalt  }
.Lfunc_end2:
_tile_overlayer_lowered:
.L_overlay_start_2:
0x85: {  	(tag) =	ssettag $0x2  }
0x86: {  	s0 =	rddreg [dreg:$0x0];
	s2 =	stileid.u32  }
0x87: {  	s1 =	rddreg [dreg:$0x1];
	p0 =	sne.s32 s2, $0x0  }
0x88: {  	s3 =	rddreg [dreg:$0x2];
	[bflag:$0x3] =	sbarrier.arrive $0xFFFF;
	s2 =	simm.s32 @!p0 $0x1C02  }
0x89: {  	[timem:s3], [sflag:s2] =	dma.local @!p0 [hbm:s0], s1  }
0x8a: {  	s0 =	simm.s32 @!p0 $0x2  }
0x8b: {  	_ =	swait.ge @!p0 [sflag:s0], s1  }
0x8c: {  	s1 =	ssub.s32 @!p0 $0x0, s1;
	[sflag:s0] =	ssyncset.done @!p0 $0x0  }
0x8d: {  	[sflag:s0] =	ssyncadd.s32 @!p0 s1  }
0x8e: {  	[bflag:$0x3] =	sbarrier.arrive $0xFFFF  }
0x8f: {  	_ =	shalt  }

</sc_bundles>
